<compile_context>
chip_gen: v7x
topology: tpu7x:2x2x1
jax: 0.10.2.dev20260603
libtpu: 0.0.44.dev20260713+nightly
codegen_flags: <defaults>
</compile_context>

<pallas_src>
import jax
import jax.numpy as jnp
from jax.experimental import pallas as pl
from jax.experimental.pallas import tpu as pltpu

DIM = 768
HEADS = 12
HD = 64
HIDDEN = 3072
NUM_PROP = 128
ALPHA = 0.1
N = 577
NT = N - 1
NP = 640
KEEP = NT - NUM_PROP
NOUT = 1 + KEEP
NOP = 456
EPS = 1e-5


def _layer_norm(x, w, b):
    mu = x.mean(-1, keepdims=True)
    var = ((x - mu) ** 2).mean(-1, keepdims=True)
    return (x - mu) / jnp.sqrt(var + EPS) * w + b


def _attention(x, W_qkv, W_proj, b_proj):
    B, n, C = x.shape
    hd = C // HEADS
    qkv = (x @ W_qkv).reshape(B, n, 3, HEADS, hd).transpose(2, 0, 3, 1, 4)
    q, k, v = qkv[0], qkv[1], qkv[2]
    q = q * (hd ** (-0.5))
    attn = q @ jnp.swapaxes(k, -2, -1)
    attn = jax.nn.softmax(attn, axis=-1)
    out = jnp.swapaxes(attn @ v, 1, 2).reshape(B, n, C)
    out = out @ W_proj + b_proj
    return out, attn


def _select_order(attn):
    tr1 = jnp.diagonal(attn, axis1=-2, axis2=-1)[:, :, 1:].mean(1)
    tr2 = attn[:, :, :, 1:].sum(-2).mean(1)
    token_rank = tr1 * tr2
    return jnp.argsort(-token_rank, axis=1)


def _prop_kernel(ord_ref, x_ref, g_ref, xn_ref, wk_ref):
    ordl = ord_ref[0, 0:1, :]
    ob = jnp.broadcast_to(ordl, (NP, NP))
    ot = ob.T
    col = jax.lax.broadcasted_iota(jnp.int32, (NP, NP), 1).astype(jnp.float32)
    perm = (ot == col - 1.0).astype(jnp.float32)
    pk = perm[:KEEP]
    pe = perm[KEEP:NT]
    xr = x_ref[0]
    g = g_ref[0]
    xk = jnp.dot(pk, xr, preferred_element_type=jnp.float32)
    xe = jnp.dot(pe, xr, preferred_element_type=jnp.float32)
    w = jnp.dot(pk, g, preferred_element_type=jnp.float32)
    wp = jax.lax.dot_general(w, pe, (((1,), (1,)), ((), ())),
                             preferred_element_type=jnp.float32)
    wk_ref[0] = jax.lax.dot_general(w, pk, (((1,), (1,)), ((), ())),
                                    preferred_element_type=jnp.float32)
    xk = xk + ALPHA * jnp.dot(wp, xe, preferred_element_type=jnp.float32)
    xn_ref[0] = jnp.concatenate(
        [xr[0:1], xk, jnp.zeros((NOP - NOUT, DIM), jnp.float32)], axis=0)


def _mlp_kernel(x_ref, w2_ref, b2_ref, wf1_ref, bf1_ref, wf2_ref, bf2_ref, o_ref):
    xx = x_ref[0]
    h = _layer_norm(xx, w2_ref[0], b2_ref[0])
    a = jnp.dot(h, wf1_ref[...], preferred_element_type=jnp.float32) + bf1_ref[0]
    ge = 0.5 * a * (1.0 + jax.lax.erf(a * (2.0 ** -0.5)))
    o_ref[0] = jnp.dot(ge, wf2_ref[...], preferred_element_type=jnp.float32) \
        + bf2_ref[0] + xx


def kernel(x, graph, norm1_w, norm1_b, W_qkv, W_proj, b_proj,
           norm2_w, norm2_b, W_fc1, b_fc1, W_fc2, b_fc2):
    B = x.shape[0]
    f32 = jnp.float32

    tmp, attn = _attention(_layer_norm(x, norm1_w, norm1_b), W_qkv, W_proj, b_proj)
    x2 = x + tmp
    order = _select_order(attn)

    ordp = jnp.pad(order.astype(f32), ((0, 0), (0, NP - NT)),
                   constant_values=-7.0)
    ordp3 = jnp.broadcast_to(ordp[:, None, :], (B, 8, NP))
    xp2 = jnp.pad(x2, ((0, 0), (0, NP - N), (0, 0)))
    gp = jnp.pad(graph, ((0, 0), (1, NP - N), (1, NP - N)))
    n2w = norm2_w.reshape(1, DIM)
    n2b = norm2_b.reshape(1, DIM)
    bf1 = b_fc1.reshape(1, HIDDEN)
    bf2 = b_fc2.reshape(1, DIM)

    xnew, weight_kept = pl.pallas_call(
        _prop_kernel,
        grid=(B,),
        in_specs=[
            pl.BlockSpec((1, 8, NP), lambda b: (b, 0, 0)),
            pl.BlockSpec((1, NP, DIM), lambda b: (b, 0, 0)),
            pl.BlockSpec((1, NP, NP), lambda b: (b, 0, 0)),
        ],
        out_specs=[
            pl.BlockSpec((1, NOP, DIM), lambda b: (b, 0, 0)),
            pl.BlockSpec((1, KEEP, KEEP), lambda b: (b, 0, 0)),
        ],
        out_shape=[
            jax.ShapeDtypeStruct((B, NOP, DIM), f32),
            jax.ShapeDtypeStruct((B, KEEP, KEEP), f32),
        ],
        compiler_params=pltpu.CompilerParams(
            dimension_semantics=("parallel",)),
    )(ordp3, xp2, gp)

    out = pl.pallas_call(
        _mlp_kernel,
        grid=(B,),
        in_specs=[
            pl.BlockSpec((1, NOP, DIM), lambda b: (b, 0, 0)),
            pl.BlockSpec((1, DIM), lambda b: (0, 0)),
            pl.BlockSpec((1, DIM), lambda b: (0, 0)),
            pl.BlockSpec((DIM, HIDDEN), lambda b: (0, 0)),
            pl.BlockSpec((1, HIDDEN), lambda b: (0, 0)),
            pl.BlockSpec((HIDDEN, DIM), lambda b: (0, 0)),
            pl.BlockSpec((1, DIM), lambda b: (0, 0)),
        ],
        out_specs=pl.BlockSpec((1, NOP, DIM), lambda b: (b, 0, 0)),
        out_shape=jax.ShapeDtypeStruct((B, NOP, DIM), f32),
        compiler_params=pltpu.CompilerParams(
            dimension_semantics=("parallel",)),
    )(xnew, n2w, n2b, W_fc1, bf1, W_fc2, bf2)

    return out[:, :NOUT], weight_kept

# --- scband reference (transcript-rebuilt; emitter-appended) ---
"""Pipeline reference for scband-graph-propagation-block-2284922602204 (READ-ONLY COPY).

The authoritative reference and input builder live on the scoring server;
editing this copy changes nothing except your own understanding.
"""

import jax, jax.numpy as jnp
import numpy as np

DIM = 768
HEADS = 12
HIDDEN = 3072
NUM_PROP = 128
ALPHA = 0.1

def layer_norm(x, w, b, eps=1e-5):
    mu = x.mean(-1, keepdims=True)
    var = ((x - mu) ** 2).mean(-1, keepdims=True)
    return (x - mu) / jnp.sqrt(var + eps) * w + b

def setup_inputs(seed: int = 0) -> dict:
    key = jax.random.key(seed)
    ks = jax.random.split(key, 8)
    B, N = 8, 577
    s = 0.02
    return {
        "x": jax.random.normal(ks[0], (B, N, DIM), jnp.float32),
        "graph": jax.random.uniform(ks[1], (B, N - 1, N - 1), jnp.float32),
        "norm1_w": jnp.ones((DIM,), jnp.float32),
        "norm1_b": jnp.zeros((DIM,), jnp.float32),
        "W_qkv": jax.random.normal(ks[2], (DIM, 3 * DIM), jnp.float32) * s,
        "W_proj": jax.random.normal(ks[3], (DIM, DIM), jnp.float32) * s,
        "b_proj": jnp.zeros((DIM,), jnp.float32),
        "norm2_w": jnp.ones((DIM,), jnp.float32),
        "norm2_b": jnp.zeros((DIM,), jnp.float32),
        "W_fc1": jax.random.normal(ks[4], (DIM, HIDDEN), jnp.float32) * s,
        "b_fc1": jnp.zeros((HIDDEN,), jnp.float32),
        "W_fc2": jax.random.normal(ks[5], (HIDDEN, DIM), jnp.float32) * s,
        "b_fc2": jnp.zeros((DIM,), jnp.float32),
    }

def _attention(x, W_qkv, W_proj, b_proj):
    B, N, C = x.shape
    H = HEADS
    hd = C // H
    qkv = (x @ W_qkv).reshape(B, N, 3, H, hd).transpose(2, 0, 3, 1, 4)
    q, k, v = qkv[0], qkv[1], qkv[2]
    q = q * (hd ** (-0.5))
    attn = q @ jnp.swapaxes(k, -2, -1)
    attn = jax.nn.softmax(attn, axis=-1)
    out = jnp.swapaxes(attn @ v, 1, 2).reshape(B, N, C)
    out = out @ W_proj + b_proj
    return out, attn

def _select(attn, num_prop):
    # standard == 'MixedAttnMean'
    tr1 = jnp.diagonal(attn, axis1=-2, axis2=-1)[:, :, 1:].mean(1)
    tr2 = attn[:, :, :, 1:].sum(-2).mean(1)
    token_rank = tr1 * tr2
    order = jnp.argsort(-token_rank, axis=1)  # descending
    index_kept = order[:, :-num_prop]
    index_elim = order[:, -num_prop:]
    return index_kept, index_elim

def _propagate(x, weight, index_kept, index_elim, alpha):
    # standard == 'Graph', token_scales is None
    x_cls = x[:, 0:1]
    xt = x[:, 1:]
    x_kept = jnp.take_along_axis(xt, index_kept[:, :, None], axis=1)
    x_elim = jnp.take_along_axis(xt, index_elim[:, :, None], axis=1)
    w = jnp.take_along_axis(weight, index_kept[:, :, None], axis=1)
    weight_prop = jnp.take_along_axis(w, index_elim[:, None, :], axis=2)
    weight_kept = jnp.take_along_axis(w, index_kept[:, None, :], axis=2)
    x_prop = weight_prop @ x_elim  # sparse matmul in torch; dense here, same math
    x_kept = x_kept + alpha * x_prop
    x_out = jnp.concatenate([x_cls, x_kept], axis=1)
    return x_out, weight_kept

def reference(x, graph, norm1_w, norm1_b, W_qkv, W_proj, b_proj, norm2_w, norm2_b, W_fc1, b_fc1, W_fc2, b_fc2):
    tmp, attn = _attention(layer_norm(x, norm1_w, norm1_b), W_qkv, W_proj, b_proj)
    x = x + tmp  # drop_path / ls1 are Identity
    index_kept, index_elim = _select(attn, NUM_PROP)
    x, weight_kept = _propagate(x, graph, index_kept, index_elim, ALPHA)
    h = layer_norm(x, norm2_w, norm2_b)
    h = jax.nn.gelu(h @ W_fc1 + b_fc1, approximate=False)
    h = h @ W_fc2 + b_fc2
    x = x + h
    return x, weight_kept

if __name__ == "__main__":
    import jax
    _d = setup_inputs()
    print(jax.jit(kernel)(*tuple(_d.values())))

</pallas_src>

<mosaic_0001>
module attributes {stable_mosaic.version = 14 : i64} {
  func.func @_prop_kernel(%arg0: i32, %arg1: memref<1x8x640xf32, #tpu.memory_space<vmem>>, %arg2: memref<1x640x768xf32, #tpu.memory_space<vmem>>, %arg3: memref<1x640x640xf32, #tpu.memory_space<vmem>>, %arg4: memref<1x456x768xf32, #tpu.memory_space<vmem>>, %arg5: memref<1x448x448xf32, #tpu.memory_space<vmem>>) attributes {dimension_semantics = [#tpu.dimension_semantics<parallel>], iteration_bounds = array<i64: 8>, scalar_prefetch = 0 : i64, scratch_operands = 0 : i64, tpu.core_type = #tpu.core_type<tc>, window_params = [{transform_indices = @transform_0, window_bounds = array<i64: 1, 8, 640>}, {transform_indices = @transform_1, window_bounds = array<i64: 1, 640, 768>}, {transform_indices = @transform_2, window_bounds = array<i64: 1, 640, 640>}, {transform_indices = @transform_3, window_bounds = array<i64: 1, 456, 768>}, {transform_indices = @transform_4, window_bounds = array<i64: 1, 448, 448>}]} {
    %get3A = arith.constant 0 : index
    %get3A_0 = arith.constant 0 : index
    %get3A_1 = arith.constant 0 : index
    %get3A_2 = vector.load %arg1[%get3A, %get3A_0, %get3A_1] : memref<1x8x640xf32, #tpu.memory_space<vmem>>, vector<1x1x640xf32>
    %get3A_3 = vector.shape_cast %get3A_2 : vector<1x1x640xf32> to vector<1x640xf32>
    %broadcast_in_dim3A = vector.shape_cast %get3A_3 : vector<1x640xf32> to vector<1x640xf32>
    %broadcast_in_dim3A_4 = vector.broadcast %broadcast_in_dim3A : vector<1x640xf32> to vector<640x640xf32>
    %transpose3A = tpu.transpose %broadcast_in_dim3A_4, [1, 0] : vector<640x640xf32> -> vector<640x640xf32>
    %iota3A = tpu.iota {dimensions = array<i32: 1>} : vector<640x640xi32>
    %convert_element_type3A = arith.sitofp %iota3A : vector<640x640xi32> to vector<640x640xf32>
    %sub3A = arith.constant 1.000000e+00 : f32
    %sub3A_5 = vector.broadcast %sub3A : f32 to vector<640x640xf32>
    %sub3A_6 = arith.subf %convert_element_type3A, %sub3A_5 : vector<640x640xf32>
    %eq3A = arith.cmpf oeq, %transpose3A, %sub3A_6 : vector<640x640xf32>
    %convert_element_type3A_7 = arith.extui %eq3A : vector<640x640xi1> to vector<640x640xi32>
    %convert_element_type3A_8 = arith.sitofp %convert_element_type3A_7 : vector<640x640xi32> to vector<640x640xf32>
    %slice3A = vector.extract_strided_slice %convert_element_type3A_8 {offsets = [0, 0], sizes = [448, 640], strides = [1, 1]} : vector<640x640xf32> to vector<448x640xf32>
    %slice3A_9 = vector.extract_strided_slice %convert_element_type3A_8 {offsets = [448, 0], sizes = [128, 640], strides = [1, 1]} : vector<640x640xf32> to vector<128x640xf32>
    %get3A_10 = arith.constant 0 : index
    %get3A_11 = arith.constant 0 : index
    %get3A_12 = arith.constant 0 : index
    %get3A_13 = vector.load %arg2[%get3A_10, %get3A_11, %get3A_12] : memref<1x640x768xf32, #tpu.memory_space<vmem>>, vector<1x640x768xf32>
    %get3A_14 = vector.shape_cast %get3A_13 : vector<1x640x768xf32> to vector<640x768xf32>
    %get3A_15 = arith.constant 0 : index
    %get3A_16 = arith.constant 0 : index
    %get3A_17 = arith.constant 0 : index
    %get3A_18 = vector.load %arg3[%get3A_15, %get3A_16, %get3A_17] : memref<1x640x640xf32, #tpu.memory_space<vmem>>, vector<1x640x640xf32>
    %get3A_19 = vector.shape_cast %get3A_18 : vector<1x640x640xf32> to vector<640x640xf32>
    %dot_general3A = arith.constant dense<0.000000e+00> : vector<448x768xf32>
    %dot_general3A_20 = tpu.matmul %slice3A, %get3A_14, %dot_general3A {dimension_numbers = #tpu.dot_dimension_numbers<[1], [0], [0], [1], [0, 0, 1, 1], [], []>, transpose_lhs_hint = false} : vector<448x640xf32>, vector<640x768xf32>, vector<448x768xf32> -> vector<448x768xf32>
    %dot_general3A_21 = arith.constant dense<0.000000e+00> : vector<128x768xf32>
    %dot_general3A_22 = tpu.matmul %slice3A_9, %get3A_14, %dot_general3A_21 {dimension_numbers = #tpu.dot_dimension_numbers<[1], [0], [0], [1], [0, 0, 1, 1], [], []>, transpose_lhs_hint = false} : vector<128x640xf32>, vector<640x768xf32>, vector<128x768xf32> -> vector<128x768xf32>
    %dot_general3A_23 = arith.constant dense<0.000000e+00> : vector<448x640xf32>
    %dot_general3A_24 = tpu.matmul %slice3A, %get3A_19, %dot_general3A_23 {dimension_numbers = #tpu.dot_dimension_numbers<[1], [0], [0], [1], [0, 0, 1, 1], [], []>, transpose_lhs_hint = false} : vector<448x640xf32>, vector<640x640xf32>, vector<448x640xf32> -> vector<448x640xf32>
    %dot_general3A_25 = arith.constant dense<0.000000e+00> : vector<448x128xf32>
    %dot_general3A_26 = tpu.matmul %dot_general3A_24, %slice3A_9, %dot_general3A_25 {dimension_numbers = #tpu.dot_dimension_numbers<[1], [1], [0], [0], [0, 0, 1, 0], [], []>, transpose_lhs_hint = false} : vector<448x640xf32>, vector<128x640xf32>, vector<448x128xf32> -> vector<448x128xf32>
    %dot_general3A_27 = arith.constant dense<0.000000e+00> : vector<448x448xf32>
    %dot_general3A_28 = tpu.matmul %dot_general3A_24, %slice3A, %dot_general3A_27 {dimension_numbers = #tpu.dot_dimension_numbers<[1], [1], [0], [0], [0, 0, 1, 0], [], []>, transpose_lhs_hint = false} : vector<448x640xf32>, vector<448x640xf32>, vector<448x448xf32> -> vector<448x448xf32>
    %swap3A = arith.constant 0 : index
    %swap3A_29 = arith.constant 0 : index
    %swap3A_30 = arith.constant 0 : index
    %swap3A_31 = vector.load %arg5[%swap3A, %swap3A_29, %swap3A_30] : memref<1x448x448xf32, #tpu.memory_space<vmem>>, vector<1x448x448xf32>
    %swap3A_32 = vector.shape_cast %swap3A_31 : vector<1x448x448xf32> to vector<448x448xf32>
    %swap3A_33 = vector.shape_cast %dot_general3A_28 : vector<448x448xf32> to vector<1x448x448xf32>
    tpu.vector_store %arg5[%swap3A, %swap3A_29, %swap3A_30], %swap3A_33 {strides = array<i32>} : memref<1x448x448xf32, #tpu.memory_space<vmem>>, vector<1x448x448xf32>,
    %dot_general3A_34 = arith.constant dense<0.000000e+00> : vector<448x768xf32>
    %dot_general3A_35 = tpu.matmul %dot_general3A_26, %dot_general3A_22, %dot_general3A_34 {dimension_numbers = #tpu.dot_dimension_numbers<[1], [0], [0], [1], [0, 0, 1, 1], [], []>, transpose_lhs_hint = false} : vector<448x128xf32>, vector<128x768xf32>, vector<448x768xf32> -> vector<448x768xf32>
    %mul3A = arith.constant 1.000000e-01 : f32
    %mul3A_36 = vector.broadcast %mul3A : f32 to vector<448x768xf32>
    %mul3A_37 = arith.mulf %mul3A_36, %dot_general3A_35 : vector<448x768xf32>
    %add3A = arith.addf %dot_general3A_20, %mul3A_37 : vector<448x768xf32>
    %slice3A_38 = vector.extract_strided_slice %get3A_14 {offsets = [0, 0], sizes = [1, 768], strides = [1, 1]} : vector<640x768xf32> to vector<1x768xf32>
    %broadcast_in_dim3A_39 = arith.constant 0.000000e+00 : f32
    %broadcast_in_dim3A_40 = vector.broadcast %broadcast_in_dim3A_39 : f32 to vector<7x768xf32>
    %concatenate3A = tpu.concatenate %slice3A_38, %add3A, %broadcast_in_dim3A_40 in 0 : vector<1x768xf32>, vector<448x768xf32>, vector<7x768xf32> -> vector<456x768xf32>
    %swap3A_41 = arith.constant 0 : index
    %swap3A_42 = arith.constant 0 : index
    %swap3A_43 = arith.constant 0 : index
    %swap3A_44 = vector.load %arg4[%swap3A_41, %swap3A_42, %swap3A_43] : memref<1x456x768xf32, #tpu.memory_space<vmem>>, vector<1x456x768xf32>
    %swap3A_45 = vector.shape_cast %swap3A_44 : vector<1x456x768xf32> to vector<456x768xf32>
    %swap3A_46 = vector.shape_cast %concatenate3A : vector<456x768xf32> to vector<1x456x768xf32>
    tpu.vector_store %arg4[%swap3A_41, %swap3A_42, %swap3A_43], %swap3A_46 {strides = array<i32>} : memref<1x456x768xf32, #tpu.memory_space<vmem>>, vector<1x456x768xf32>,
    return
  }
  func.func @transform_0(%arg0: i32) -> (i32, i32, i32) {
    %c0_i32 = arith.constant 0 : i32
    %c0_i32_0 = arith.constant 0 : i32
    %c0_i32_1 = arith.constant 0 : i32
    return %arg0, %c0_i32, %c0_i32_0 : i32, i32, i32
  }
  func.func @transform_1(%arg0: i32) -> (i32, i32, i32) {
    %c0_i32 = arith.constant 0 : i32
    %c0_i32_0 = arith.constant 0 : i32
    %c0_i32_1 = arith.constant 0 : i32
    return %arg0, %c0_i32, %c0_i32_0 : i32, i32, i32
  }
  func.func @transform_2(%arg0: i32) -> (i32, i32, i32) {
    %c0_i32 = arith.constant 0 : i32
    %c0_i32_0 = arith.constant 0 : i32
    %c0_i32_1 = arith.constant 0 : i32
    return %arg0, %c0_i32, %c0_i32_0 : i32, i32, i32
  }
  func.func @transform_3(%arg0: i32) -> (i32, i32, i32) {
    %c0_i32 = arith.constant 0 : i32
    %c0_i32_0 = arith.constant 0 : i32
    %c0_i32_1 = arith.constant 0 : i32
    return %arg0, %c0_i32, %c0_i32_0 : i32, i32, i32
  }
  func.func @transform_4(%arg0: i32) -> (i32, i32, i32) {
    %c0_i32 = arith.constant 0 : i32
    %c0_i32_0 = arith.constant 0 : i32
    %c0_i32_1 = arith.constant 0 : i32
    return %arg0, %c0_i32, %c0_i32_0 : i32, i32, i32
  }
}

module attributes {stable_mosaic.version = 14 : i64} {
  func.func @_mlp_kernel(%arg0: i32, %arg1: memref<1x456x768xf32, #tpu.memory_space<vmem>>, %arg2: memref<1x768xf32, #tpu.memory_space<vmem>>, %arg3: memref<1x768xf32, #tpu.memory_space<vmem>>, %arg4: memref<768x3072xf32, #tpu.memory_space<vmem>>, %arg5: memref<1x3072xf32, #tpu.memory_space<vmem>>, %arg6: memref<3072x768xf32, #tpu.memory_space<vmem>>, %arg7: memref<1x768xf32, #tpu.memory_space<vmem>>, %arg8: memref<1x456x768xf32, #tpu.memory_space<vmem>>) attributes {dimension_semantics = [#tpu.dimension_semantics<parallel>], iteration_bounds = array<i64: 8>, scalar_prefetch = 0 : i64, scratch_operands = 0 : i64, tpu.core_type = #tpu.core_type<tc>, window_params = [{transform_indices = @transform_0, window_bounds = array<i64: 1, 456, 768>}, {pipeline_mode = #tpu.pipeline_mode<synchronous>, transform_indices = @transform_1, window_bounds = array<i64: 1, 768>}, {pipeline_mode = #tpu.pipeline_mode<synchronous>, transform_indices = @transform_2, window_bounds = array<i64: 1, 768>}, {pipeline_mode = #tpu.pipeline_mode<synchronous>, transform_indices = @transform_3, window_bounds = array<i64: 768, 3072>}, {pipeline_mode = #tpu.pipeline_mode<synchronous>, transform_indices = @transform_4, window_bounds = array<i64: 1, 3072>}, {pipeline_mode = #tpu.pipeline_mode<synchronous>, transform_indices = @transform_5, window_bounds = array<i64: 3072, 768>}, {pipeline_mode = #tpu.pipeline_mode<synchronous>, transform_indices = @transform_6, window_bounds = array<i64: 1, 768>}, {transform_indices = @transform_7, window_bounds = array<i64: 1, 456, 768>}]} {
    %get3A = arith.constant 0 : index
    %get3A_0 = arith.constant 0 : index
    %get3A_1 = arith.constant 0 : index
    %get3A_2 = vector.load %arg1[%get3A, %get3A_0, %get3A_1] : memref<1x456x768xf32, #tpu.memory_space<vmem>>, vector<1x456x768xf32>
    %get3A_3 = vector.shape_cast %get3A_2 : vector<1x456x768xf32> to vector<456x768xf32>
    %get3A_4 = arith.constant 0 : index
    %get3A_5 = arith.constant 0 : index
    %get3A_6 = vector.load %arg2[%get3A_4, %get3A_5] : memref<1x768xf32, #tpu.memory_space<vmem>>, vector<1x768xf32>
    %get3A_7 = vector.shape_cast %get3A_6 : vector<1x768xf32> to vector<768xf32>
    %get3A_8 = arith.constant 0 : index
    %get3A_9 = arith.constant 0 : index
    %get3A_10 = vector.load %arg3[%get3A_8, %get3A_9] : memref<1x768xf32, #tpu.memory_space<vmem>>, vector<1x768xf32>
    %get3A_11 = vector.shape_cast %get3A_10 : vector<1x768xf32> to vector<768xf32>
    %reduce_sum3A = arith.constant dense<0.000000e+00> : vector<456xf32>
    %reduce_sum3A_12 = vector.multi_reduction <add>, %get3A_3, %reduce_sum3A [1] : vector<456x768xf32> to vector<456xf32>
    %broadcast_in_dim3A = vector.shape_cast %reduce_sum3A_12 : vector<456xf32> to vector<456x1xf32>
    %div3A = arith.constant 7.680000e+02 : f32
    %div3A_13 = vector.broadcast %div3A : f32 to vector<456x1xf32>
    %div3A_14 = arith.divf %broadcast_in_dim3A, %div3A_13 : vector<456x1xf32>
    %sub3A = vector.broadcast %div3A_14 : vector<456x1xf32> to vector<456x768xf32>
    %sub3A_15 = arith.subf %get3A_3, %sub3A : vector<456x768xf32>
    %integer_pow3A = arith.mulf %sub3A_15, %sub3A_15 : vector<456x768xf32>
    %reduce_sum3A_16 = arith.constant dense<0.000000e+00> : vector<456xf32>
    %reduce_sum3A_17 = vector.multi_reduction <add>, %integer_pow3A, %reduce_sum3A_16 [1] : vector<456x768xf32> to vector<456xf32>
    %broadcast_in_dim3A_18 = vector.shape_cast %reduce_sum3A_17 : vector<456xf32> to vector<456x1xf32>
    %div3A_19 = arith.constant 7.680000e+02 : f32
    %div3A_20 = vector.broadcast %div3A_19 : f32 to vector<456x1xf32>
    %div3A_21 = arith.divf %broadcast_in_dim3A_18, %div3A_20 : vector<456x1xf32>
    %sub3A_22 = vector.broadcast %div3A_14 : vector<456x1xf32> to vector<456x768xf32>
    %sub3A_23 = arith.subf %get3A_3, %sub3A_22 : vector<456x768xf32>
    %add3A = arith.constant 9.99999974E-6 : f32
    %add3A_24 = vector.broadcast %add3A : f32 to vector<456x1xf32>
    %add3A_25 = arith.addf %div3A_21, %add3A_24 : vector<456x1xf32>
    %sqrt3A = math.sqrt %add3A_25 : vector<456x1xf32>
    %div3A_26 = vector.broadcast %sqrt3A : vector<456x1xf32> to vector<456x768xf32>
    %div3A_27 = arith.divf %sub3A_23, %div3A_26 : vector<456x768xf32>
    %broadcast_in_dim3A_28 = vector.shape_cast %get3A_7 : vector<768xf32> to vector<1x768xf32>
    %mul3A = vector.broadcast %broadcast_in_dim3A_28 : vector<1x768xf32> to vector<456x768xf32>
    %mul3A_29 = arith.mulf %div3A_27, %mul3A : vector<456x768xf32>
    %broadcast_in_dim3A_30 = vector.shape_cast %get3A_11 : vector<768xf32> to vector<1x768xf32>
    %add3A_31 = vector.broadcast %broadcast_in_dim3A_30 : vector<1x768xf32> to vector<456x768xf32>
    %add3A_32 = arith.addf %mul3A_29, %add3A_31 : vector<456x768xf32>
    %get3A_33 = arith.constant 0 : index
    %get3A_34 = arith.constant 0 : index
    %get3A_35 = vector.load %arg4[%get3A_33, %get3A_34] : memref<768x3072xf32, #tpu.memory_space<vmem>>, vector<768x3072xf32>
    %dot_general3A = arith.constant dense<0.000000e+00> : vector<456x3072xf32>
    %dot_general3A_36 = tpu.matmul %add3A_32, %get3A_35, %dot_general3A {dimension_numbers = #tpu.dot_dimension_numbers<[1], [0], [0], [1], [0, 0, 1, 1], [], []>, transpose_lhs_hint = false} : vector<456x768xf32>, vector<768x3072xf32>, vector<456x3072xf32> -> vector<456x3072xf32>
    %get3A_37 = arith.constant 0 : index
    %get3A_38 = arith.constant 0 : index
    %get3A_39 = vector.load %arg5[%get3A_37, %get3A_38] : memref<1x3072xf32, #tpu.memory_space<vmem>>, vector<1x3072xf32>
    %get3A_40 = vector.shape_cast %get3A_39 : vector<1x3072xf32> to vector<3072xf32>
    %broadcast_in_dim3A_41 = vector.shape_cast %get3A_40 : vector<3072xf32> to vector<1x3072xf32>
    %add3A_42 = vector.broadcast %broadcast_in_dim3A_41 : vector<1x3072xf32> to vector<456x3072xf32>
    %add3A_43 = arith.addf %dot_general3A_36, %add3A_42 : vector<456x3072xf32>
    %mul3A_44 = arith.constant 5.000000e-01 : f32
    %mul3A_45 = vector.broadcast %mul3A_44 : f32 to vector<456x3072xf32>
    %mul3A_46 = arith.mulf %mul3A_45, %add3A_43 : vector<456x3072xf32>
    %mul3A_47 = arith.constant 0.707106769 : f32
    %mul3A_48 = vector.broadcast %mul3A_47 : f32 to vector<456x3072xf32>
    %mul3A_49 = arith.mulf %add3A_43, %mul3A_48 : vector<456x3072xf32>
    %erf3A = math.erf %mul3A_49 : vector<456x3072xf32>
    %add3A_50 = arith.constant 1.000000e+00 : f32
    %add3A_51 = vector.broadcast %add3A_50 : f32 to vector<456x3072xf32>
    %add3A_52 = arith.addf %add3A_51, %erf3A : vector<456x3072xf32>
    %mul3A_53 = arith.mulf %mul3A_46, %add3A_52 : vector<456x3072xf32>
    %get3A_54 = arith.constant 0 : index
    %get3A_55 = arith.constant 0 : index
    %get3A_56 = vector.load %arg6[%get3A_54, %get3A_55] : memref<3072x768xf32, #tpu.memory_space<vmem>>, vector<3072x768xf32>
    %dot_general3A_57 = arith.constant dense<0.000000e+00> : vector<456x768xf32>
    %dot_general3A_58 = tpu.matmul %mul3A_53, %get3A_56, %dot_general3A_57 {dimension_numbers = #tpu.dot_dimension_numbers<[1], [0], [0], [1], [0, 0, 1, 1], [], []>, transpose_lhs_hint = false} : vector<456x3072xf32>, vector<3072x768xf32>, vector<456x768xf32> -> vector<456x768xf32>
    %get3A_59 = arith.constant 0 : index
    %get3A_60 = arith.constant 0 : index
    %get3A_61 = vector.load %arg7[%get3A_59, %get3A_60] : memref<1x768xf32, #tpu.memory_space<vmem>>, vector<1x768xf32>
    %get3A_62 = vector.shape_cast %get3A_61 : vector<1x768xf32> to vector<768xf32>
    %broadcast_in_dim3A_63 = vector.shape_cast %get3A_62 : vector<768xf32> to vector<1x768xf32>
    %add3A_64 = vector.broadcast %broadcast_in_dim3A_63 : vector<1x768xf32> to vector<456x768xf32>
    %add3A_65 = arith.addf %dot_general3A_58, %add3A_64 : vector<456x768xf32>
    %add3A_66 = arith.addf %add3A_65, %get3A_3 : vector<456x768xf32>
    %swap3A = arith.constant 0 : index
    %swap3A_67 = arith.constant 0 : index
    %swap3A_68 = arith.constant 0 : index
    %swap3A_69 = vector.load %arg8[%swap3A, %swap3A_67, %swap3A_68] : memref<1x456x768xf32, #tpu.memory_space<vmem>>, vector<1x456x768xf32>
    %swap3A_70 = vector.shape_cast %swap3A_69 : vector<1x456x768xf32> to vector<456x768xf32>
    %swap3A_71 = vector.shape_cast %add3A_66 : vector<456x768xf32> to vector<1x456x768xf32>
    tpu.vector_store %arg8[%swap3A, %swap3A_67, %swap3A_68], %swap3A_71 {strides = array<i32>} : memref<1x456x768xf32, #tpu.memory_space<vmem>>, vector<1x456x768xf32>,
    return
  }
  func.func @transform_0(%arg0: i32) -> (i32, i32, i32) {
    %c0_i32 = arith.constant 0 : i32
    %c0_i32_0 = arith.constant 0 : i32
    %c0_i32_1 = arith.constant 0 : i32
    return %arg0, %c0_i32, %c0_i32_0 : i32, i32, i32
  }
  func.func @transform_1(%arg0: i32) -> (i32, i32) {
    %c0_i32 = arith.constant 0 : i32
    %c0_i32_0 = arith.constant 0 : i32
    %c0_i32_1 = arith.constant 0 : i32
    return %c0_i32, %c0_i32_0 : i32, i32
  }
  func.func @transform_2(%arg0: i32) -> (i32, i32) {
    %c0_i32 = arith.constant 0 : i32
    %c0_i32_0 = arith.constant 0 : i32
    %c0_i32_1 = arith.constant 0 : i32
    return %c0_i32, %c0_i32_0 : i32, i32
  }
  func.func @transform_3(%arg0: i32) -> (i32, i32) {
    %c0_i32 = arith.constant 0 : i32
    %c0_i32_0 = arith.constant 0 : i32
    %c0_i32_1 = arith.constant 0 : i32
    return %c0_i32, %c0_i32_0 : i32, i32
  }
  func.func @transform_4(%arg0: i32) -> (i32, i32) {
    %c0_i32 = arith.constant 0 : i32
    %c0_i32_0 = arith.constant 0 : i32
    %c0_i32_1 = arith.constant 0 : i32
    return %c0_i32, %c0_i32_0 : i32, i32
  }
  func.func @transform_5(%arg0: i32) -> (i32, i32) {
    %c0_i32 = arith.constant 0 : i32
    %c0_i32_0 = arith.constant 0 : i32
    %c0_i32_1 = arith.constant 0 : i32
    return %c0_i32, %c0_i32_0 : i32, i32
  }
  func.func @transform_6(%arg0: i32) -> (i32, i32) {
    %c0_i32 = arith.constant 0 : i32
    %c0_i32_0 = arith.constant 0 : i32
    %c0_i32_1 = arith.constant 0 : i32
    return %c0_i32, %c0_i32_0 : i32, i32
  }
  func.func @transform_7(%arg0: i32) -> (i32, i32, i32) {
    %c0_i32 = arith.constant 0 : i32
    %c0_i32_0 = arith.constant 0 : i32
    %c0_i32_1 = arith.constant 0 : i32
    return %arg0, %c0_i32, %c0_i32_0 : i32, i32, i32
  }
}

</mosaic_0001>

<sc_bundles>
// kernel: sparse-core-data-format-call.1.cloned.1.call-start
scs
called_computation.1_lowered:
.L_overlay_start_0:
0x0: {  	s1 =	sld [smem:$0x3FD9]  }
0x1: {  	s2 =	sld [smem:$0x3FFE];
	_ =	sdelay $0x1  }
0x2: {  	s3 =	srdreg.scid  }
0x3: {  	s0 =	sand.u32 $0x1, s3  }
0x4: {  	s17 =	sshll.u32 s0, $0xA;
	s1 =	sadd.s32 s2, s1  }
0x5: {  	s1 =	sadd.s32 s1, s17  }
0x6: {  	[smem:$0x3FBB] =	sst s1  }
0x7: {  	_ = 	snop  }
0x8: {  	(tm) =	ssettm $0x1  }
0x9: {  	s18 =	sld [smem:$0x3FFB];
	_ =	sdelay $0x3  }
0xa: {  	_ =	strace s18  }
0xb: {  	s1 =	sld [smem:$0x3FFC];
	_ =	sdelay $0x3  }
0xc: {  	_ =	strace s1  }
0xd: {  	s1 =	sld [smem:$0x3FFD];
	_ =	sdelay $0x3  }
0xe: {  	_ =	strace s1  }
0xf: {  	_ =	strace $0x8FFFFFFF  }
0x10: {  	s19 =	sld [smem:$0x3FDB];
	_ =	sdelay $0x1  }
0x11: {  	s20 =	simm.s32 $_scs_section_size  }
0x12: {  	s4 =	simm.s32 $_size__tile_overlayer_lowered;
	s5 =	simm.s32 $_tile_overlayer_lowered  }
0x13: {  	s23 =	simm.s32 $0x1BFF;
	s22 =	sshll.u32 s5, $0x1;
	s1 =	sadd.s32 s20, s19  }
0x14: {  	s6 =	simm.s32 $0x0;
	s21 =	sshll.u32 s4, $0x1;
	s4 =	sadd.s32 s22, s1  }
0x15: {  	[timem:s6], [sflag:s23] =	dma.local [hbm:s4], s21  }
0x16: {  	_ =	swait.ge [sflag:s23], s21  }
0x17: {  	s2 =	ssub.s32 $0x0, s21;
	[sflag:s23] =	ssyncset.done $0x0  }
0x18: {  	[sflag:s23] =	ssyncadd.s32 s2;
	_ =	sdelay $0x1  }
0x19: {  	s24 =	simm.s32 $0x1B8B  }
0x1a: {  	_ =	swait.ge [sflag:s24], $0x1  }
0x1b: {  	[sflag:s24] =	ssyncset.done $0x0  }
0x1c: {  	s26 =	simm.s32 $0x1B8E;
	s25 =	sld [smem:$0x3FFE];
	[sflag:s24] =	ssyncadd.s32 $0xFFFFFFFF  }
0x1d: {  	s27 =	simm.s32 $execute0_lowered;
	[smem:$0x3FD2] =	sst s26  }
0x1e: {  	s4 =	sshll.u32 s27, $0x1;
	_ =	strace $0x80000046;
	[dreg:$0x1] =	wrdreg $0xFFFFFFFF  }
0x1f: {  	s28 =	simm.s32 $_size_execute0_lowered;
	s1 =	sadd.s32 s1, s4;
	[dreg:$0x0] =	wrdreg $0x0  }
0x20: {  	s4 =	sshll.u32 s28, $0x1;
	[dreg:$0x2] =	wrdreg s1  }
0x21: {  	[dreg:$0x3] =	wrdreg s4  }
0x22: {  	[dreg:$0x4] =	wrdreg $0xC0  }
0x23: {  	_ =	task [dreg:s6], $0x5FFFF  }
0x24: {  	[dreg:$0x1] =	wrdreg $0xFFFFFFFF  }
0x25: {  	[dreg:$0x0] =	wrdreg $0x60  }
0x26: {  	[dreg:$0x2] =	wrdreg s25  }
0x27: {  	[dreg:$0x3] =	wrdreg $0x9  }
0x28: {  	_ =	task.clear_ibuf [dreg:s6], $0x4FFFF;
	_ =	strace $0x90000046  }
0x29: {  	s29 =	simm.s32 $0x9;
	_ =	strace $0x80000048  }
0x2a: {  	_ =	swait.ge [sflag:s29], $0x1  }
0x2b: {  	[sflag:s29] =	ssyncadd.s32 $0xFFFFFFFF  }
0x2c: {  	_ =	strace $0x90000048  }
0x2d: {  	_ =	sfence  }
0x2e: {  	s30 =	sld [smem:$0x0];
	_ =	sdelay $0x2  }
0x2f: {  	s31 =	sshll.u32 s3, $0xD;
	s3 =	sshrl.u32 s3, $0x2  }
0x30: {  	s2 =	sand.u32 $0x4000, s31;
	s1 =	sadd.s32 s3, s30  }
0x31: {  	s0 =	sor.u32 s2, s0;
	s1 =	sshll.u32 s1, $0x11  }
0x32: {  	s0 =	sor.u32 s1, s0  }
0x33: {  	s0 =	sadd.s32 $0x8F2B, s0  }
0x34: {  	[sflag:s0] =	ssyncadd.remote.s32 $0x1  }
0x35: {  	_ =	sfence.sel $0xFFFF  }
0x36: {  	[dreg:$0x0] =	wrdreg $0xFFFFFFFF;
	(pc) =	sbr.abs _section_cstart, $3  }
0x37: {  	[dreg:$0x1] =	wrdreg $0xFFFFFFFF  }
0x38: {  	_ =	task.clear_ibuf [dreg:s6], $0x2FFFF;
	_ =	strace $0x9FFFFFFF  }
0x39: {  	(tm) =	ssettm $0x7FFFFFFF  }
tec
execute0_lowered:
.L_overlay_start_1:
0x0: {  	(tag) =	ssettag $0x1  }
0x1: {  	s0 =	srdreg.scid  }
0x2: {  	s2 =	rddreg [dreg:$0x0];
	s1 =	stileid.u32  }
0x3: {  	s8 =	simm.s32 $0x2;
	s6 =	simm.s32 $0x0;
	s17 =	simm.s32 $0x0  }
0x4: {  	s9 =	simm.s32 $0x1400;
	s20 =	simm.s32 $0x0;
	s16 =	simm.s32 $0x0  }
0x5: {  	s18 =	simm.s32 $0x0;
	s19 =	simm.s32 $0x0;
	s10 =	simm.s32 $0x0  }
0x6: {  	s11 =	simm.s32 $0x0;
	s12 =	simm.s32 $0x0;
	s3 =	sshll.u32 s0, $0x4  }
0x7: {  	s15 =	simm.s32 $0x0;
	s0 =	rddreg [dreg:$0x1];
	s3 =	sand.u32 $0x10, s3  }
.Ltmp0:
0x8: {  	_ =	strace $0x80000047;
	s5 =	sor.u32 s1, s3;
	(pc) =	sbr.rel .LBB1_1-.Ltmp0, $4  }
0x9: {  	s4 =	sadd.s32 $0x168000, s2;
	s3 =	simm.s32 $0x1;
	s5 =	sshrl.u32 s5, $0x3  }
0xa: {  	s7 =	sand.u32 $0x7, s1;
	[sflag:s3] =	ssyncpa.u1 $0x0;
	p0 =	seq.s32 s5, $0x3  }
0xb: {  	s14 =	smov.u32 s7;
	[sflag:s8] =	ssyncpa.u1 $0x0;
	s6 =	simm.s32 @!p0 $0x1E  }
0xc: {  	s13 =	smov.u32 s5;
	p0 =	por $0x0, $0x0;
	s8 =	sor.u32 $0x1, s6  }
.LBB1_7:
0xd: {  	s21 =	sadd.s32 $0x80, s10  }
0xe: {  	s16 =	sadd.s32 $0x40, s11;
	s22 =	smov.u32 s11;
	p2 =	sgt.s32 s21, $0x240  }
0xf: {  	s22 =	smov.u32 @p2 s16  }
0x10: {  	s23 =	smov.u32 s12;
	s16 =	sadd.s32 $0x2, s12;
	p3 =	sgt.s32 s22, $0x3F  }
0x11: {  	s23 =	smov.u32 @p3 s16  }
0x12: {  	s24 =	smov.u32 s13;
	s16 =	sadd.s32 $0x4, s13;
	p4 =	sgt.s32 s23, $0xB  }
0x13: {  	p1 =	slt.u32 s15, $0x2;
	s25 =	smov.u32 s14;
	s24 =	smov.u32 @p4 s16  }
0x14: {  	s17 =	smov.u32 s10;
	s16 =	sadd.s32 $0x8, s14;
	p5 =	sgt.s32 s24, $0x2  }
0x15: {  	s20 =	smov.u32 s11;
	s18 =	smov.u32 s13;
	s25 =	smov.u32 @p5 s16  }
0x16: {  	s19 =	smov.u32 s14;
	s21 =	simm.s32 @p2 $0x0;
	p2 =	sgt.s32 s25, $0x7  }
0x17: {  	s26 =	simm.s32 @!p1 $0x2;
	s25 =	smov.u32 @p2 s7;
	p2 =	sne.s32 s15, s8  }
.Ltmp1:
0x18: {  	p0 =	por !p0, !p0;
	_ =	swait.ge @!p1 [sflag:s26], $0x4000;
	(pc) =	sbr.rel @!p2 .LBB1_8-.Ltmp1, $4  }
0x19: {  	[sflag:s26] =	ssyncset.done @!p1 $0x0;
	s10 =	smov.u32 s21;
	s22 =	simm.s32 @p3 $0x0  }
0x1a: {  	[sflag:s26] =	ssyncadd.s32 @!p1 $0xFFFFC000;
	s11 =	smov.u32 s22;
	s23 =	simm.s32 @p4 $0x0  }
0x1b: {  	s24 =	smov.u32 @p5 s5;
	s16 =	smov.u32 s12;
	s12 =	smov.u32 s23  }
0x1c: {  	s13 =	smov.u32 s24;
	s15 =	sadd.s32 $0x1, s15;
	s14 =	smov.u32 s25  }
.LBB1_1:
0x1d: {  	p1 =	sge.u32 s15, s6  }
0x1e: {  	s21 =	sshrl.u32 @!p1 s11, $0x3  }
0x1f: {  	s22 =	sshll.u32 @!p1 s10, $0x3;
	s21 =	smul.u32 @!p1 $0x1400, s21  }
0x20: {  	s23 =	sshll.u32 @!p1 s11, $0x7;
	s22 =	sand.u32 @!p1 $0xFFFFFC00, s22  }
0x21: {  	s21 =	sadd.s32 @!p1 s21, s22;
	s22 =	sand.u32 @!p1 $0x380, s23  }
0x22: {  	s25 =	smul.u32 @!p1 $0x2D000, s14;
	s23 =	sand.u32 @!p1 $0x7F, s10;
	s21 =	sor.u32 @!p1 s22, s21  }
0x23: {  	s26 =	smul.u32 @!p1 $0xF000, s13;
	s22 =	sor.u32 @!p1 s23, s21  }
0x24: {  	s23 =	smulhi.u32 @!p1 $0xCCCCCCCD, s22  }
0x25: {  	s21 =	smulhi.u32 @!p1 $0xCCCCCCCD, s21  }
0x26: {  	s31 =	sadd.s32 $0xFFFFFFFF, s15;
	s27 =	smul.u32 @!p1 $0x1400, s12;
	s23 =	sshrl.u32 @!p1 s23, $0x9  }
0x27: {  	s24 =	sxor.u32 @!p1 $0xFFFFFFFF, s15;
	s21 =	sshrl.u32 @!p1 s21, $0x9;
	s23 =	smul.u32 @!p1 $0x280, s23  }
0x28: {  	s24 =	sshll.u32 @!p1 s24, $0xE;
	s25 =	sadd.s32 @!p1 s2, s25;
	s21 =	sand.u32 @!p1 $0x3F, s21  }
0x29: {  	s21 =	smul.u32 @!p1 $0x50, s21;
	s22 =	ssub.s32 @!p1 s22, s23;
	s23 =	sadd.s32 @!p1 s26, s25  }
0x2a: {  	s24 =	sand.u32 @!p1 $0x4000, s24;
	s23 =	sadd.s32 @!p1 s27, s23;
	s25 =	sand.u32 @!p1 $0x7, s22  }
0x2b: {  	s22 =	sshrl.u32 @!p1 s22, $0x3;
	s21 =	sadd.s32 @!p1 s21, s23;
	s23 =	sshll.u32 @!p1 s25, $0x12  }
0x2c: {  	s21 =	sadd.s32 @!p1 s22, s21;
	s22 =	sor.u32 @!p1 $0x400, s23;
	s23 =	simm.s32 @!p1 $0x1400  }
0x2d: {  	[tilespmem:s24], [sflag:$0x1] =	stream.strided.gather @!p1 [hbm4b:s21+s22], $0x4000, s23, s22, $0x38;
	[tilespmem:$0x10000] =	vst v63  }
0x2e: {  	p1 =	sge.u32 s31, s6  }
.Ltmp2:
0x2f: {  	_ = 	snop;
	(pc) =	sbr.rel @p1 .LBB1_7-.Ltmp2, $1  }
0x30: {  	_ =	sdelay $0x3  }
0x31: {  	s21 =	simm.s32 $0x1;
	_ =	swait.ge [sflag:s3], $0x4000  }
0x32: {  	s22 =	sshll.u32 s15, $0xE;
	s24 =	simm.s32 $0x0;
	s21 =	simm.s32 @!p0 $0x0  }
0x33: {  	p2 =	por $0x1, $0x1;
	[sflag:s3] =	ssyncset.done $0x0;
	s21 =	sshll.u32 s21, $0x10  }
0x34: {  	s22 =	sand.u32 $0x4000, s22;
	[sflag:s3] =	ssyncadd.s32 $0xFFFFC000;
	s23 =	sshrl.u32 s21, $0x2  }
0x35: {  	s21 =	sor.u32 $0x8000, s22;
	s22 =	sadd.s32 $0x8040, s23;
	s23 =	sadd.s32 $0x40, s23  }
.LBB1_3:
0x36: {  	s24 =	sshll.u32 s24, $0x2  }
0x37: {  	s25 =	sshra.s32 s24, $0x2  }
0x38: {  	s24 =	sadd.s32 s25, s23  }
0x39: {  	v1 =	vmov s24;
	_ =	sdelay $0x3  }
0x3a: {  	s24 =	simm.s32 $0x0  }
0x3b: {  	s25 =	sadd.s32 s25, s22;
	v7 =	vld.idx.msk [tilespmem:v1+s24+$0x30 ss:$0x1], $0xffff  }
0x3c: {  	v0 =	vmov s25;
	v8 =	vld.idx.msk [tilespmem:v1+s24+$0xFFFFFFC0 ss:$0x1], $0xffff  }
0x3d: {  	v6 =	vld.idx.msk [tilespmem:v1+s24+$0xFFFFFFD0 ss:$0x1], $0xffff  }
0x3e: {  	v5 =	vld.idx.msk [tilespmem:v1+s24+$0xFFFFFFE0 ss:$0x1], $0xffff  }
0x3f: {  	v4 =	vld.idx.msk [tilespmem:v1+s24+$0xFFFFFFF0 ss:$0x1], $0xffff  }
0x40: {  	v2 =	vld.idx.msk [tilespmem:v1+s24+$0x0 ss:$0x1], $0xffff  }
0x41: {  	v3 =	vld.idx.msk [tilespmem:v1+s24+$0x10 ss:$0x1], $0xffff;
	[tilespmem:v0+s24+$0x30 ss:$0x1] =	vst.idx.msk $0xffff, v7  }
0x42: {  	p1 =	por p2, p2;
	s26 =	simm.s32 $0x400;
	s25 =	simm.s32 $0x80;
	[tilespmem:v0+s24+$0xFFFFFFC0 ss:$0x1] =	vst.idx.msk $0xffff, v8;
	v7 =	vld.idx.msk [tilespmem:v1+s24+$0x20 ss:$0x1], $0xffff  }
.LBB1_4:
0x43: {  	p2 =	sne.s32 s26, $0x7E00;
	v8 =	vld.idx.msk [tilespmem:v1+s25+$0x30 ss:$0x1], $0xffff;
	[tilespmem:v0+s24+$0xFFFFFFD0 ss:$0x1] =	vst.idx.msk $0xffff, v6  }
0x44: {  	v9 =	vld.idx.msk [tilespmem:v1+s25+$0xFFFFFFC0 ss:$0x1], $0xffff;
	[tilespmem:v0+s24+$0xFFFFFFE0 ss:$0x1] =	vst.idx.msk $0xffff, v5  }
0x45: {  	v6 =	vld.idx.msk [tilespmem:v1+s25+$0xFFFFFFD0 ss:$0x1], $0xffff;
	[tilespmem:v0+s24+$0xFFFFFFF0 ss:$0x1] =	vst.idx.msk $0xffff, v4  }
.Ltmp3:
0x46: {  	v5 =	vld.idx.msk [tilespmem:v1+s25+$0xFFFFFFE0 ss:$0x1], $0xffff;
	[tilespmem:v0+s24+$0x0 ss:$0x1] =	vst.idx.msk $0xffff, v2;
	(pc) =	sbr.rel @p2 .LBB1_4-.Ltmp3, $4  }
0x47: {  	v4 =	vld.idx.msk [tilespmem:v1+s25+$0xFFFFFFF0 ss:$0x1], $0xffff;
	[tilespmem:v0+s24+$0x10 ss:$0x1] =	vst.idx.msk $0xffff, v3  }
0x48: {  	v2 =	vld.idx.msk [tilespmem:v1+s25+$0x0 ss:$0x1], $0xffff;
	[tilespmem:v0+s24+$0x20 ss:$0x1] =	vst.idx.msk $0xffff, v7;
	s24 =	smov.u32 s25  }
0x49: {  	v3 =	vld.idx.msk [tilespmem:v1+s24+$0x10 ss:$0x1], $0xffff;
	[tilespmem:v0+s24+$0x30 ss:$0x1] =	vst.idx.msk $0xffff, v8  }
0x4a: {  	s25 =	sshra.s32 s26, $0x2;
	s26 =	sadd.s32 $0x200, s26;
	[tilespmem:v0+s24+$0xFFFFFFC0 ss:$0x1] =	vst.idx.msk $0xffff, v9;
	v7 =	vld.idx.msk [tilespmem:v1+s24+$0x20 ss:$0x1], $0xffff  }
0x4b: {  	_ =	sdelay $0x3  }
0x4c: {  	[tilespmem:v0+s24+$0xFFFFFFD0 ss:$0x1] =	vst.idx.msk $0xffff, v6  }
0x4d: {  	v56 =	vld.idx.msk [tilespmem:v1+s25+$0x30 ss:$0x1], $0xffff;
	[tilespmem:v0+s24+$0xFFFFFFE0 ss:$0x1] =	vst.idx.msk $0xffff, v5  }
0x4e: {  	v57 =	vld.idx.msk [tilespmem:v1+s25+$0xFFFFFFC0 ss:$0x1], $0xffff;
	[tilespmem:v0+s24+$0xFFFFFFF0 ss:$0x1] =	vst.idx.msk $0xffff, v4  }
0x4f: {  	v58 =	vld.idx.msk [tilespmem:v1+s25+$0xFFFFFFD0 ss:$0x1], $0xffff;
	[tilespmem:v0+s24+$0x0 ss:$0x1] =	vst.idx.msk $0xffff, v2  }
0x50: {  	v59 =	vld.idx.msk [tilespmem:v1+s25+$0xFFFFFFE0 ss:$0x1], $0xffff;
	[tilespmem:v0+s24+$0x10 ss:$0x1] =	vst.idx.msk $0xffff, v3  }
0x51: {  	v60 =	vld.idx.msk [tilespmem:v1+s25+$0xFFFFFFF0 ss:$0x1], $0xffff;
	[tilespmem:v0+s24+$0x20 ss:$0x1] =	vst.idx.msk $0xffff, v7  }
0x52: {  	v61 =	vld.idx.msk [tilespmem:v1+s25+$0x0 ss:$0x1], $0xffff;
	[tilespmem:v0+s25+$0x30 ss:$0x1] =	vst.idx.msk $0xffff, v56  }
0x53: {  	v62 =	vld.idx.msk [tilespmem:v1+s25+$0x10 ss:$0x1], $0xffff;
	[tilespmem:v0+s25+$0xFFFFFFC0 ss:$0x1] =	vst.idx.msk $0xffff, v57  }
0x54: {  	v63 =	vld.idx.msk [tilespmem:v1+s25+$0x20 ss:$0x1], $0xffff;
	[tilespmem:v0+s25+$0xFFFFFFD0 ss:$0x1] =	vst.idx.msk $0xffff, v58  }
.Ltmp4:
0x55: {  	[tilespmem:v0+s25+$0xFFFFFFE0 ss:$0x1] =	vst.idx.msk $0xffff, v59;
	(pc) =	sbr.rel @p1 .LBB1_3-.Ltmp4, $4  }
0x56: {  	[tilespmem:v0+s25+$0xFFFFFFF0 ss:$0x1] =	vst.idx.msk $0xffff, v60  }
0x57: {  	[tilespmem:v0+s25+$0x0 ss:$0x1] =	vst.idx.msk $0xffff, v61  }
0x58: {  	[tilespmem:v0+s25+$0x10 ss:$0x1] =	vst.idx.msk $0xffff, v62  }
0x59: {  	p2 =	por $0x0, $0x0;
	s24 =	simm.s32 $0x2000;
	[tilespmem:v0+s25+$0x20 ss:$0x1] =	vst.idx.msk $0xffff, v63  }
0x5a: {  	s22 =	sshrl.u32 s20, $0x3  }
0x5b: {  	s23 =	sshll.u32 s17, $0x3;
	s22 =	smul.u32 $0x1400, s22  }
0x5c: {  	s27 =	sshll.u32 s20, $0x7;
	s23 =	sand.u32 $0xFFFFFC00, s23  }
0x5d: {  	s20 =	sand.u32 $0x380, s27;
	s22 =	sadd.s32 s22, s23  }
0x5e: {  	s28 =	sand.u32 $0x7F, s17;
	s19 =	smul.u32 $0xF000, s19;
	s20 =	sor.u32 s20, s22  }
0x5f: {  	s17 =	sor.u32 s28, s20;
	s20 =	smulhi.u32 $0xCCCCCCCD, s20  }
0x60: {  	s29 =	smulhi.u32 $0xCCCCCCCD, s17  }
0x61: {  	s18 =	smul.u32 $0x78000, s18  }
0x62: {  	s16 =	smul.u32 $0x1400, s16;
	s20 =	sshrl.u32 s20, $0x9;
	s22 =	sshrl.u32 s29, $0x9  }
0x63: {  	s20 =	sand.u32 $0x3F, s20;
	s22 =	smul.u32 $0x280, s22  }
0x64: {  	s19 =	sadd.s32 s4, s19;
	s20 =	smul.u32 $0x50, s20  }
.Ltmp5:
0x65: {  	s18 =	sadd.s32 s18, s19;
	s17 =	ssub.s32 s17, s22;
	(pc) =	sbr.rel .LBB1_7-.Ltmp5, $4  }
0x66: {  	s16 =	sadd.s32 s16, s18;
	s30 =	sand.u32 $0x7, s17  }
0x67: {  	s16 =	sadd.s32 s20, s16;
	s17 =	sshrl.u32 s17, $0x3;
	s18 =	sshll.u32 s30, $0x12  }
0x68: {  	s16 =	sadd.s32 s17, s16;
	s31 =	sor.u32 $0x400, s18  }
0x69: {  	[hbm4b:s16+s31] =	stream.strided.scatter [tilespmem:s21], [sflag:$0x2], $0x4000, s9, s31, $0x38;
	[tilespmem:$0x10000] =	vst v63  }
.LBB1_8:
0x6a: {  	_ =	sfence.sel $0x180000  }
0x6b: {  	s2 =	simm.s32 $0x1;
	[bflag:$0x0] =	sbarrier.arrive $0xFFFF  }
0x6c: {  	s31 =	simm.s32 $0x2;
	[sflag:s2] =	ssyncpa.u1 $0x1  }
0x6d: {  	[sflag:s31] =	ssyncpa.u1 $0x1  }
0x6e: {  	p0 =	sne.s32 s1, $0x0;
	_ =	strace $0x90000047  }
0x6f: {  	s0 =	sadd.s32 @!p0 $0x100000, s0;
	[bflag:$0x2] =	sbarrier.arrive $0xFFFF  }
0x70: {  	[sflag:s0] =	ssyncadd.tile.s32 @!p0 $0x1;
	_ =	shalt  }
.Lfunc_end1:
_tile_overlayer_lowered:
.L_overlay_start_2:
0x71: {  	(tag) =	ssettag $0x2  }
0x72: {  	s0 =	rddreg [dreg:$0x0];
	s2 =	stileid.u32  }
0x73: {  	s1 =	rddreg [dreg:$0x1];
	p0 =	sne.s32 s2, $0x0  }
0x74: {  	s3 =	rddreg [dreg:$0x2];
	[bflag:$0x3] =	sbarrier.arrive $0xFFFF;
	s2 =	simm.s32 @!p0 $0x1C01  }
0x75: {  	[timem:s3], [sflag:s2] =	dma.local @!p0 [hbm:s0], s1  }
0x76: {  	s0 =	simm.s32 @!p0 $0x1  }
0x77: {  	_ =	swait.ge @!p0 [sflag:s0], s1  }
0x78: {  	s1 =	ssub.s32 @!p0 $0x0, s1;
	[sflag:s0] =	ssyncset.done @!p0 $0x0  }
0x79: {  	[sflag:s0] =	ssyncadd.s32 @!p0 s1  }
0x7a: {  	[bflag:$0x3] =	sbarrier.arrive $0xFFFF  }
0x7b: {  	_ =	shalt  }

// kernel: sparse-core-data-format-call.cloned.1.call-start
scs
called_computation_lowered:
.L_overlay_start_0:
0x0: {  	s1 =	sld [smem:$0x3FD9]  }
0x1: {  	s2 =	sld [smem:$0x3FFE];
	_ =	sdelay $0x1  }
0x2: {  	s3 =	srdreg.scid  }
0x3: {  	s0 =	sand.u32 $0x1, s3  }
0x4: {  	s17 =	sshll.u32 s0, $0xA;
	s1 =	sadd.s32 s2, s1  }
0x5: {  	s1 =	sadd.s32 s1, s17  }
0x6: {  	[smem:$0x3FBB] =	sst s1  }
0x7: {  	_ = 	snop  }
0x8: {  	(tm) =	ssettm $0x1  }
0x9: {  	s18 =	sld [smem:$0x3FFB];
	_ =	sdelay $0x3  }
0xa: {  	_ =	strace s18  }
0xb: {  	s1 =	sld [smem:$0x3FFC];
	_ =	sdelay $0x3  }
0xc: {  	_ =	strace s1  }
0xd: {  	s1 =	sld [smem:$0x3FFD];
	_ =	sdelay $0x3  }
0xe: {  	_ =	strace s1  }
0xf: {  	_ =	strace $0x8FFFFFFF  }
0x10: {  	s19 =	sld [smem:$0x3FDB];
	_ =	sdelay $0x1  }
0x11: {  	s20 =	simm.s32 $_scs_section_size  }
0x12: {  	s4 =	simm.s32 $_size__tile_overlayer_lowered;
	s5 =	simm.s32 $_tile_overlayer_lowered  }
0x13: {  	s23 =	simm.s32 $0x1BFF;
	s22 =	sshll.u32 s5, $0x1;
	s1 =	sadd.s32 s20, s19  }
0x14: {  	s6 =	simm.s32 $0x0;
	s21 =	sshll.u32 s4, $0x1;
	s4 =	sadd.s32 s22, s1  }
0x15: {  	[timem:s6], [sflag:s23] =	dma.local [hbm:s4], s21  }
0x16: {  	_ =	swait.ge [sflag:s23], s21  }
0x17: {  	s2 =	ssub.s32 $0x0, s21;
	[sflag:s23] =	ssyncset.done $0x0  }
0x18: {  	[sflag:s23] =	ssyncadd.s32 s2;
	_ =	sdelay $0x1  }
0x19: {  	s24 =	simm.s32 $0x1B8B  }
0x1a: {  	_ =	swait.ge [sflag:s24], $0x1  }
0x1b: {  	[sflag:s24] =	ssyncset.done $0x0  }
0x1c: {  	s26 =	simm.s32 $0x1B8E;
	s25 =	sld [smem:$0x3FFE];
	[sflag:s24] =	ssyncadd.s32 $0xFFFFFFFF  }
0x1d: {  	s27 =	simm.s32 $execute0_lowered;
	[smem:$0x3FD2] =	sst s26  }
0x1e: {  	s4 =	sshll.u32 s27, $0x1;
	_ =	strace $0x80000049;
	[dreg:$0x1] =	wrdreg $0xFFFFFFFF  }
0x1f: {  	s28 =	simm.s32 $_size_execute0_lowered;
	s1 =	sadd.s32 s1, s4;
	[dreg:$0x0] =	wrdreg $0x0  }
0x20: {  	s4 =	sshll.u32 s28, $0x1;
	[dreg:$0x2] =	wrdreg s1  }
0x21: {  	[dreg:$0x3] =	wrdreg s4  }
0x22: {  	[dreg:$0x4] =	wrdreg $0xC0  }
0x23: {  	_ =	task [dreg:s6], $0x5FFFF  }
0x24: {  	[dreg:$0x1] =	wrdreg $0xFFFFFFFF  }
0x25: {  	[dreg:$0x0] =	wrdreg $0x60  }
0x26: {  	[dreg:$0x2] =	wrdreg s25  }
0x27: {  	[dreg:$0x3] =	wrdreg $0x9  }
0x28: {  	_ =	task.clear_ibuf [dreg:s6], $0x4FFFF;
	_ =	strace $0x90000049  }
0x29: {  	s29 =	simm.s32 $0x9;
	_ =	strace $0x8000004B  }
0x2a: {  	_ =	swait.ge [sflag:s29], $0x1  }
0x2b: {  	[sflag:s29] =	ssyncadd.s32 $0xFFFFFFFF  }
0x2c: {  	_ =	strace $0x9000004B  }
0x2d: {  	_ =	sfence  }
0x2e: {  	s30 =	sld [smem:$0x0];
	_ =	sdelay $0x2  }
0x2f: {  	s31 =	sshll.u32 s3, $0xD;
	s3 =	sshrl.u32 s3, $0x2  }
0x30: {  	s2 =	sand.u32 $0x4000, s31;
	s1 =	sadd.s32 s3, s30  }
0x31: {  	s0 =	sor.u32 s2, s0;
	s1 =	sshll.u32 s1, $0x11  }
0x32: {  	s0 =	sor.u32 s1, s0  }
0x33: {  	s0 =	sadd.s32 $0x8F2B, s0  }
0x34: {  	[sflag:s0] =	ssyncadd.remote.s32 $0x1  }
0x35: {  	_ =	sfence.sel $0xFFFF  }
0x36: {  	[dreg:$0x0] =	wrdreg $0xFFFFFFFF;
	(pc) =	sbr.abs _section_cstart, $3  }
0x37: {  	[dreg:$0x1] =	wrdreg $0xFFFFFFFF  }
0x38: {  	_ =	task.clear_ibuf [dreg:s6], $0x2FFFF;
	_ =	strace $0x9FFFFFFF  }
0x39: {  	(tm) =	ssettm $0x7FFFFFFF  }
tec
execute0_lowered:
.L_overlay_start_1:
0x0: {  	(tag) =	ssettag $0x1  }
0x1: {  	s0 =	rddreg [dreg:$0x0];
	s1 =	srdreg.scid  }
0x2: {  	_ =	strace $0x8000004A;
	s28 =	stileid.u32;
	s30 =	simm.s32 $0x1  }
0x3: {  	s31 =	simm.s32 $0x2;
	s22 =	simm.s32 $0x0;
	p0 =	por $0x0, $0x0  }
0x4: {  	s10 =	simm.s32 $0x1400;
	s20 =	simm.s32 $0x0;
	s23 =	simm.s32 $0x0  }
0x5: {  	s21 =	simm.s32 $0x0;
	s11 =	simm.s32 $0x0;
	s12 =	simm.s32 $0x0  }
0x6: {  	s14 =	simm.s32 $0x0;
	s15 =	simm.s32 $0x0;
	s16 =	simm.s32 $0x0  }
0x7: {  	s17 =	simm.s32 $0x0;
	s13 =	simm.s32 $0x0;
	s2 =	sadd.s32 $0x77B400, s0  }
.Ltmp0:
0x8: {  	s1 =	sshll.u32 s1, $0x4;
	s0 =	sadd.s32 $0x334400, s0;
	(pc) =	sbr.rel .LBB1_1-.Ltmp0, $4  }
0x9: {  	s8 =	sand.u32 $0x7, s28;
	[dreg:$0x3] =	wrdreg s2;
	s1 =	sand.u32 $0x10, s1  }
0xa: {  	[sflag:s30] =	ssyncpa.u1 $0x0;
	[dreg:$0x4] =	wrdreg s0;
	s29 =	sor.u32 s28, s1  }
0xb: {  	[sflag:s31] =	ssyncpa.u1 $0x0;
	[dreg:$0x5] =	wrdreg s8;
	s9 =	sshrl.u32 s29, $0x3  }
0xc: {  	s19 =	smov.u32 s8;
	s18 =	smov.u32 s9;
	[dreg:$0x6] =	wrdreg s9  }
.LBB1_18:
0xd: {  	s15 =	rddreg [dreg:$0xb]  }
0xe: {  	s12 =	rddreg [dreg:$0x8]  }
0xf: {  	s11 =	rddreg [dreg:$0x7]  }
0x10: {  	s4 =	rddreg [dreg:$0x15]  }
0x11: {  	s5 =	rddreg [dreg:$0x17]  }
0x12: {  	s6 =	rddreg [dreg:$0x16]  }
0x13: {  	s24 =	rddreg [dreg:$0x14]  }
0x14: {  	s14 =	rddreg [dreg:$0xa]  }
0x15: {  	s27 =	rddreg [dreg:$0x4]  }
0x16: {  	s8 =	rddreg [dreg:$0x5]  }
0x17: {  	s9 =	rddreg [dreg:$0x6]  }
0x18: {  	s13 =	rddreg [dreg:$0x9]  }
0x19: {  	s16 =	rddreg [dreg:$0xc]  }
0x1a: {  	s17 =	rddreg [dreg:$0xd]  }
0x1b: {  	s10 =	simm.s32 $0x1400;
	s18 =	rddreg [dreg:$0xe]  }
0x1c: {  	s0 =	sshrl.u32 s15, $0x3;
	s1 =	sshll.u32 s12, $0x3;
	s5 =	smul.u32 $0x4080, s5  }
0x1d: {  	s2 =	sshll.u32 s15, $0x7;
	s20 =	sand.u32 $0x7F, s12;
	s25 =	smul.u32 $0x5A280, s14  }
0x1e: {  	p1 =	sgt.s32 s12, $0x200;
	s3 =	smov.u32 s11;
	s0 =	smul.u32 $0x1400, s0  }
0x1f: {  	s26 =	smul.u32 $0x280, s11;
	s1 =	sand.u32 $0xFFFFFC00, s1;
	s19 =	sand.u32 $0x380, s2  }
0x20: {  	s30 =	sor.u32 $0x8000, s5;
	s0 =	sadd.s32 s0, s1;
	s1 =	smov.u32 s12  }
0x21: {  	s0 =	sor.u32 s19, s0;
	s1 =	simm.s32 @!p1 $0x200;
	p1 =	sgt.s32 s11, $0x1C1  }
0x22: {  	s19 =	rddreg [dreg:$0xf];
	s2 =	sor.u32 s20, s0;
	s1 =	sadd.s32 s4, s1  }
0x23: {  	s3 =	simm.s32 @!p1 $0x1C1;
	s0 =	smulhi.u32 $0xCCCCCCCD, s0;
	s20 =	rddreg [dreg:$0x10]  }
0x24: {  	s21 =	smulhi.u32 $0xCCCCCCCD, s2;
	s3 =	sadd.s32 s6, s3;
	s22 =	sadd.s32 $0xFFFFFE00, s1  }
0x25: {  	s1 =	ssub.s32 $0x280, s1;
	p1 =	sgt.s32 s22, $0x7F;
	s23 =	sadd.s32 $0xFFFFFE3F, s3  }
0x26: {  	s3 =	ssub.s32 $0x241, s3;
	s0 =	sshrl.u32 s0, $0x9;
	s4 =	sshrl.u32 s21, $0x9  }
0x27: {  	s22 =	rddreg [dreg:$0x12];
	s1 =	simm.s32 @p1 $0x0;
	s4 =	smul.u32 $0x280, s4  }
0x28: {  	p1 =	sgt.s32 s23, $0x7F;
	s0 =	sand.u32 $0x7, s0;
	s1 =	smul.u32 s1, s24  }
0x29: {  	s21 =	rddreg [dreg:$0x11];
	s3 =	simm.s32 @p1 $0x0;
	s0 =	smul.u32 $0x50, s0  }
0x2a: {  	s1 =	smul.u32 s3, s1;
	s2 =	ssub.s32 s2, s4;
	s3 =	sadd.s32 s27, s25  }
0x2b: {  	s23 =	rddreg [dreg:$0x13];
	s3 =	sadd.s32 s26, s3;
	s28 =	sand.u32 $0x7, s2  }
0x2c: {  	s2 =	sshrl.u32 s2, $0x3;
	s0 =	sadd.s32 s0, s3;
	s29 =	sshll.u32 s28, $0x12  }
0x2d: {  	s1 =	sand.u32 $0x3FFFFFFF, s1;
	s0 =	sadd.s32 s2, s0;
	s31 =	sor.u32 $0x80, s29  }
0x2e: {  	[hbm4b:s0+s31] =	stream.strided.scatter [tilespmem:s30], [sflag:$0x2], s1, s10, s31, $0x20;
	[tilespmem:$0x10100] =	vst v63  }
.LBB1_19:
0x2f: {  	p1 =	slt.u32 s13, $0x2;
	s0 =	smov.u32 s23  }
0x30: {  	s2 =	smov.u32 s22;
	s13 =	sadd.s32 $0x1, s13;
	p0 =	por !p0, !p0  }
0x31: {  	p2 =	sgt.s32 @!p1 s23, $0xB;
	s1 =	sshra.s32 @!p1 s23, $0x1F;
	s3 =	sshra.s32 @!p1 s22, $0x1F  }
0x32: {  	s4 =	sshra.s32 @!p1 s20, $0x1F;
	p2 =	por !p2, p1;
	s1 =	sand.u32 @!p1 s1, s23  }
0x33: {  	s4 =	sand.u32 @!p1 s4, s20;
	s0 =	simm.s32 @p2 $0xB;
	p2 =	sgt.s32 @!p1 s22, $0x1C1  }
0x34: {  	s23 =	smov.u32 s14;
	s0 =	ssub.s32 @!p1 s0, s1;
	p2 =	por !p2, p1  }
0x35: {  	s1 =	sadd.s32 @!p1 $0xFFFFFFF5, s0;
	s2 =	simm.s32 @p2 $0x1C1;
	s0 =	ssub.s32 @!p1 $0xC, s0  }
0x36: {  	p3 =	sgt.s32 @!p1 s1, $0x0;
	s1 =	sand.u32 @!p1 s3, s22;
	s3 =	sshra.s32 @!p1 s21, $0x1F  }
0x37: {  	p2 =	por !p3, p1;
	s1 =	ssub.s32 @!p1 s2, s1;
	p3 =	sgt.s32 @!p1 s21, $0x7  }
0x38: {  	s3 =	sand.u32 @!p1 s3, s21;
	s0 =	simm.s32 @!p2 $0x0;
	s2 =	sadd.s32 @!p1 $0xFFFFFE3F, s1  }
0x39: {  	p3 =	por !p3, p1;
	p2 =	sgt.s32 @!p1 s2, $0x7F;
	s2 =	smov.u32 s21  }
0x3a: {  	s1 =	ssub.s32 @!p1 $0x241, s1;
	s2 =	simm.s32 @p3 $0x7;
	p3 =	sgt.s32 @!p1 s20, $0x200  }
0x3b: {  	s2 =	ssub.s32 @!p1 s2, s3;
	p3 =	por !p3, p1;
	s3 =	smov.u32 s20  }
0x3c: {  	p2 =	por !p2, p1;
	s5 =	sadd.s32 @!p1 $0xFFFFFFF9, s2;
	s3 =	simm.s32 @p3 $0x200  }
0x3d: {  	s2 =	ssub.s32 @!p1 $0x8, s2;
	p3 =	sgt.s32 @!p1 s5, $0x0;
	s3 =	ssub.s32 @!p1 s3, s4  }
0x3e: {  	s5 =	smov.u32 s17;
	p3 =	por !p3, p1;
	s4 =	sadd.s32 @!p1 $0xFFFFFE00, s3  }
0x3f: {  	s3 =	ssub.s32 @!p1 $0x280, s3;
	s2 =	simm.s32 @!p3 $0x0;
	p3 =	sgt.s32 @!p1 s4, $0x7F  }
0x40: {  	p3 =	por !p3, p1;
	s0 =	smul.u32 @!p1 s2, s0;
	s2 =	sadd.s32 $0x80, s16  }
0x41: {  	s4 =	sadd.s32 $0x80, s17;
	s3 =	simm.s32 @!p3 $0x0;
	p3 =	sgt.s32 s2, $0x240  }
0x42: {  	s1 =	simm.s32 @!p2 $0x0;
	s0 =	smul.u32 @!p1 s3, s0;
	s5 =	smov.u32 @p3 s4  }
0x43: {  	s3 =	sadd.s32 $0x4, s18;
	s4 =	smov.u32 s18;
	p2 =	sgt.s32 s5, $0x240  }
0x44: {  	s2 =	simm.s32 @p3 $0x0;
	s0 =	smul.u32 @!p1 s1, s0;
	s4 =	smov.u32 @p2 s3  }
0x45: {  	s1 =	sadd.s32 $0x8, s19;
	s3 =	smov.u32 s19;
	p3 =	sgt.s32 s4, $0xB  }
0x46: {  	s14 =	smov.u32 s18;
	s22 =	smov.u32 s11;
	s3 =	smov.u32 @p3 s1  }
0x47: {  	s11 =	smov.u32 s16;
	s5 =	simm.s32 @p2 $0x0;
	p2 =	sgt.s32 s3, $0x7  }
0x48: {  	s21 =	smov.u32 s15;
	s3 =	smov.u32 @p2 s8;
	p2 =	sne.s32 s13, $0x4D  }
.Ltmp1:
0x49: {  	s15 =	smov.u32 s19;
	s20 =	smov.u32 s12;
	(pc) =	sbr.rel @!p2 .LBB1_20-.Ltmp1, $4  }
0x4a: {  	s12 =	smov.u32 s17;
	s0 =	sand.u32 @!p1 $0x3FFFFFFF, s0;
	s1 =	simm.s32 @!p1 $0x2  }
0x4b: {  	s16 =	smov.u32 s2;
	s17 =	smov.u32 s5;
	_ =	swait.ge @!p1 [sflag:s1], s0  }
0x4c: {  	s4 =	smov.u32 @p3 s9;
	s0 =	ssub.s32 @!p1 $0x0, s0;
	[sflag:s1] =	ssyncset.done @!p1 $0x0  }
0x4d: {  	s18 =	smov.u32 s4;
	[sflag:s1] =	ssyncadd.s32 @!p1 s0;
	s19 =	smov.u32 s3  }
.LBB1_1:
0x4e: {  	p1 =	sgt.u32 s13, $0x4A  }
.Ltmp2:
0x4f: {  	_ = 	snop;
	(pc) =	sbr.rel @p1 .LBB1_3-.Ltmp2, $1  }
0x50: {  	_ =	sdelay $0x3  }
0x51: {  	s0 =	sshrl.u32 s17, $0x3  }
0x52: {  	s1 =	sshll.u32 s16, $0x3;
	s0 =	smul.u32 $0x1400, s0  }
0x53: {  	s2 =	sshll.u32 s17, $0x7;
	s1 =	sand.u32 $0xFFFFFC00, s1  }
0x54: {  	s24 =	sand.u32 $0x380, s2;
	s0 =	sadd.s32 s0, s1  }
0x55: {  	s25 =	sand.u32 $0x7F, s16;
	s3 =	sxor.u32 $0xFFFFFFFF, s13;
	s0 =	sor.u32 s24, s0  }
0x56: {  	p1 =	sgt.s32 s19, $0x7;
	s4 =	smov.u32 s19;
	s1 =	sor.u32 s25, s0  }
0x57: {  	s5 =	sshra.s32 s19, $0x1F;
	s6 =	sshra.s32 s18, $0x1F;
	s2 =	smulhi.u32 $0xCCCCCCCD, s1  }
0x58: {  	s7 =	sshra.s32 s17, $0x1F;
	s31 =	sshra.s32 s16, $0x1F;
	s4 =	simm.s32 @!p1 $0x7  }
0x59: {  	s26 =	sand.u32 s5, s19;
	p1 =	sgt.s32 s18, $0xB;
	s2 =	sshrl.u32 s2, $0x9  }
0x5a: {  	s28 =	sand.u32 s6, s18;
	s5 =	smov.u32 s17;
	s2 =	smul.u32 $0x280, s2  }
0x5b: {  	s7 =	sand.u32 s7, s17;
	s3 =	sshll.u32 s3, $0xE;
	s0 =	smulhi.u32 $0xCCCCCCCD, s0  }
0x5c: {  	s25 =	smul.u32 $0x88E00, s19;
	s1 =	ssub.s32 s1, s2;
	s2 =	ssub.s32 s4, s26  }
0x5d: {  	s0 =	sshrl.u32 s0, $0x9;
	s4 =	smov.u32 s18;
	s27 =	sadd.s32 $0xFFFFFFF9, s2  }
0x5e: {  	s4 =	simm.s32 @!p1 $0xB;
	s2 =	ssub.s32 $0x8, s2;
	p1 =	sgt.s32 s27, $0x0  }
0x5f: {  	s4 =	ssub.s32 s4, s28;
	s2 =	simm.s32 @p1 $0x0;
	p1 =	sgt.s32 s17, $0x1C8  }
0x60: {  	s30 =	smulhi.u32 $0xE07039, s0;
	s29 =	sadd.s32 $0xFFFFFFF5, s4;
	s5 =	simm.s32 @!p1 $0x1C8  }
0x61: {  	s4 =	ssub.s32 $0xC, s4;
	p1 =	sgt.s32 s29, $0x0;
	s5 =	ssub.s32 s5, s7  }
0x62: {  	s6 =	sshrl.u32 s30, $0x1;
	s4 =	simm.s32 @p1 $0x0;
	s7 =	sadd.s32 $0xFFFFFE38, s5  }
0x63: {  	s2 =	smul.u32 s2, s4;
	s4 =	ssub.s32 $0x248, s5;
	p1 =	sgt.s32 s7, $0x7F  }
0x64: {  	s5 =	smov.u32 s16;
	s4 =	simm.s32 @p1 $0x0;
	p1 =	sgt.s32 s16, $0x200  }
0x65: {  	s6 =	smul.u32 $0x248, s6;
	s7 =	sand.u32 s31, s16;
	s5 =	simm.s32 @!p1 $0x200  }
0x66: {  	s3 =	sand.u32 $0x4000, s3;
	s26 =	smul.u32 $0xB680, s18;
	s24 =	ssub.s32 s5, s7  }
0x67: {  	s0 =	ssub.s32 s0, s6;
	s27 =	rddreg [dreg:$0x3];
	s5 =	sadd.s32 $0xFFFFFE00, s24  }
0x68: {  	s2 =	smul.u32 s4, s2;
	s4 =	ssub.s32 $0x280, s24;
	p1 =	sgt.s32 s5, $0x7F  }
0x69: {  	s0 =	smul.u32 $0x50, s0;
	s6 =	sadd.s32 s27, s25;
	s4 =	simm.s32 @p1 $0x0  }
0x6a: {  	s28 =	sadd.s32 s26, s6;
	s29 =	sand.u32 $0x7, s1;
	s2 =	smul.u32 s4, s2  }
0x6b: {  	s1 =	sshrl.u32 s1, $0x3;
	s0 =	sadd.s32 s0, s28;
	s30 =	sshll.u32 s29, $0x12  }
0x6c: {  	s0 =	sadd.s32 s1, s0;
	s31 =	sor.u32 $0x400, s30;
	s2 =	sand.u32 $0x3FFFFFFF, s2  }
0x6d: {  	[tilespmem:s3], [sflag:$0x1] =	stream.strided.gather [hbm4b:s0+s31], s2, s10, s31, $0x38;
	[tilespmem:$0x10100] =	vst v63  }
.LBB1_3:
0x6e: {  	p1 =	seq.s32 s13, $0x0  }
0x6f: {  	p2 =	seq.s32 @!p1 s13, $0x4C  }
0x70: {  	p1 =	por p1, p2  }
.Ltmp3:
0x71: {  	_ = 	snop;
	(pc) =	sbr.rel @p1 .LBB1_19-.Ltmp3, $1  }
0x72: {  	_ =	sdelay $0x3  }
0x73: {  	[dreg:$0x13] =	wrdreg s23  }
0x74: {  	[dreg:$0x12] =	wrdreg s22  }
0x75: {  	[dreg:$0x11] =	wrdreg s21  }
0x76: {  	[dreg:$0x10] =	wrdreg s20  }
0x77: {  	[dreg:$0xf] =	wrdreg s19  }
0x78: {  	[dreg:$0xe] =	wrdreg s18;
	p1 =	sgt.s32 s15, $0x7;
	s0 =	smov.u32 s15  }
0x79: {  	s1 =	sshra.s32 s15, $0x1F;
	s2 =	sshra.s32 s14, $0x1F;
	s21 =	ssub.s32 $0x0, s12  }
0x7a: {  	s22 =	sshra.s32 s12, $0x1F;
	p2 =	sgt.s32 s12, $0x1C8;
	s4 =	smov.u32 s12  }
0x7b: {  	s25 =	ssub.s32 $0x0, s11;
	s26 =	sshra.s32 s11, $0x1F;
	s0 =	simm.s32 @!p1 $0x7  }
0x7c: {  	s1 =	sand.u32 s1, s15;
	p1 =	sgt.s32 s14, $0xB;
	s2 =	sand.u32 s2, s14  }
0x7d: {  	s4 =	simm.s32 @!p2 $0x1C8;
	s0 =	ssub.s32 s0, s1;
	s1 =	smov.u32 s14  }
0x7e: {  	s3 =	sadd.s32 $0xFFFFFFF9, s0;
	s1 =	simm.s32 @!p1 $0xB;
	s0 =	ssub.s32 $0x8, s0  }
0x7f: {  	p1 =	sgt.s32 s3, $0x0;
	s1 =	ssub.s32 s1, s2;
	s2 =	sand.u32 s21, s22  }
0x80: {  	s3 =	smov.u32 s11;
	s5 =	sadd.s32 $0xFFFFFFF5, s1;
	s1 =	ssub.s32 $0xC, s1  }
0x81: {  	[dreg:$0x15] =	wrdreg s2;
	s2 =	sadd.s32 s2, s4;
	s0 =	simm.s32 @p1 $0x0  }
0x82: {  	p2 =	sgt.s32 s5, $0x0;
	s23 =	sadd.s32 $0xFFFFFE38, s2;
	s2 =	ssub.s32 $0x248, s2  }
0x83: {  	s1 =	simm.s32 @p2 $0x0;
	p1 =	sgt.s32 s23, $0x7F;
	p2 =	sgt.s32 s11, $0x200  }
0x84: {  	s24 =	smul.u32 s0, s1;
	s0 =	sand.u32 s25, s26;
	s3 =	simm.s32 @!p2 $0x200  }
0x85: {  	s2 =	simm.s32 @p1 $0x0;
	[dreg:$0x16] =	wrdreg s0;
	s0 =	sadd.s32 s0, s3  }
0x86: {  	[dreg:$0xd] =	wrdreg s17;
	s28 =	smul.u32 s2, s24;
	s29 =	sadd.s32 $0xFFFFFE00, s0  }
0x87: {  	s0 =	ssub.s32 $0x280, s0;
	s2 =	sadd.s32 $0x1, s15;
	p1 =	sgt.s32 s29, $0x7F  }
0x88: {  	s3 =	sadd.s32 $0x1, s14;
	s0 =	simm.s32 @p1 $0x0;
	p1 =	slt.s32 s2, $0x8  }
0x89: {  	[dreg:$0xc] =	wrdreg s16;
	s2 =	simm.s32 @!p1 $0x8;
	p1 =	slt.s32 s3, $0xC  }
0x8a: {  	s1 =	sadd.s32 $0x80, s12;
	s2 =	ssub.s32 s2, s15;
	s3 =	simm.s32 @!p1 $0xC  }
0x8b: {  	p2 =	slt.s32 s1, $0x241;
	s26 =	ssub.s32 s3, s14;
	p1 =	slt.s32 s2, $0x1  }
0x8c: {  	[dreg:$0x7] =	wrdreg s11;
	s1 =	simm.s32 @!p2 $0x241;
	p2 =	slt.s32 @!p1 s26, $0x1  }
0x8d: {  	[dreg:$0xb] =	wrdreg s15;
	s27 =	ssub.s32 s1, s12;
	p2 =	por p1, p2  }
0x8e: {  	[dreg:$0xa] =	wrdreg s14;
	p3 =	slt.s32 @!p2 s27, $0x1  }
0x8f: {  	[dreg:$0x8] =	wrdreg s12;
	s0 =	smul.u32 s0, s28;
	p2 =	por p2, p3  }
.Ltmp4:
0x90: {  	[dreg:$0x14] =	wrdreg s24;
	(pc) =	sbr.rel @p2 .LBB1_18-.Ltmp4, $4  }
0x91: {  	s30 =	simm.s32 $0x1;
	[dreg:$0x18] =	wrdreg s2;
	s0 =	sand.u32 $0x3FFFFFFF, s0  }
0x92: {  	s31 =	sand.u32 $0x1, s13;
	_ =	swait.ge [sflag:s30], s0  }
0x93: {  	s0 =	ssub.s32 $0x0, s0;
	[dreg:$0x9] =	wrdreg s13;
	[sflag:s30] =	ssyncset.done $0x0  }
0x94: {  	[dreg:$0x17] =	wrdreg s31;
	[sflag:s30] =	ssyncadd.s32 s0  }
0x95: {  	s2 =	rddreg [dreg:$0x7]  }
0x96: {  	s0 =	sadd.s32 $0x80, s2  }
0x97: {  	p2 =	slt.s32 s0, $0x241  }
0x98: {  	s1 =	simm.s32 $0x1;
	s0 =	simm.s32 @!p2 $0x241  }
0x99: {  	s1 =	simm.s32 @!p0 $0x0;
	s0 =	ssub.s32 s0, s2  }
0x9a: {  	s24 =	smul.u32 $0x10200, s1;
	s2 =	sadd.s32 $0xF, s0  }
0x9b: {  	s25 =	sshrl.u32 s2, $0x8  }
0x9c: {  	s7 =	simm.s32 $0x0;
	s4 =	sshrl.u32 s24, $0x2;
	s3 =	smul.u32 $0x20400, s25  }
.Ltmp5:
0x9d: {  	s31 =	sadd.s32 $0xF8F0, s4;
	s28 =	sand.u32 $0xFFFFFFF0, s2;
	(pc) =	sbr.rel .LBB1_6-.Ltmp5, $4  }
0x9e: {  	s29 =	sand.u32 @!p1 $0xFFFFFF00, s2;
	[dreg:$0x19] =	wrdreg s31;
	s0 =	sadd.s32 s24, s3  }
0x9f: {  	s1 =	sshll.u32 s25, $0xB;
	s3 =	rddreg [dreg:$0x17];
	s0 =	sshra.s32 s0, $0x2  }
0xa0: {  	p2 =	sge.s32 s29, s28;
	s30 =	sshll.u32 @!p1 s3, $0xE;
	s0 =	sadd.s32 $0x8000, s0  }
0xa1: {  	p1 =	slt.s32 s2, $0x100;
	s2 =	simm.s32 $0x0;
	[dreg:$0x1a] =	wrdreg s0  }
.LBB1_17:
0xa2: {  	s2 =	sadd.s32 $0x1, s2;
	s0 =	rddreg [dreg:$0x18]  }
0xa3: {  	p3 =	sne.s32 s2, s0  }
.Ltmp6:
0xa4: {  	_ = 	snop;
	(pc) =	sbr.rel @!p3 .LBB1_18-.Ltmp6, $2  }
0xa5: {  	_ =	sdelay $0x2  }
0xa6: {  	s7 =	sadd.s32 $0x1, s7  }
.LBB1_6:
.Ltmp7:
0xa7: {  	s3 =	sand.u32 $0x7, s7;
	(pc) =	sbr.rel .LBB1_7-.Ltmp7, $4  }
0xa8: {  	s3 =	smul.u32 $0x204, s3  }
0xa9: {  	s0 =	rddreg [dreg:$0x1a]  }
0xaa: {  	s31 =	rddreg [dreg:$0x19];
	s4 =	sshrl.u32 s3, $0x2  }
0xab: {  	s5 =	simm.s32 $0x0;
	s3 =	sadd.s32 s4, s0;
	s8 =	sadd.s32 s4, s31  }
.LBB1_16:
0xac: {  	s5 =	sadd.s32 $0x1, s5  }
0xad: {  	p3 =	sne.s32 s5, s26  }
.Ltmp8:
0xae: {  	_ = 	snop;
	(pc) =	sbr.rel @!p3 .LBB1_17-.Ltmp8, $2  }
0xaf: {  	_ =	sdelay $0x2  }
0xb0: {  	s8 =	sadd.s32 $0x4080, s8;
	s3 =	sadd.s32 $0x4080, s3  }
.LBB1_7:
.Ltmp9:
0xb1: {  	(pc) =	sbr.rel .LBB1_8-.Ltmp9, $4  }
0xb2: {  	s4 =	sadd.s32 s2, s5  }
0xb3: {  	s4 =	sshll.u32 s4, $0x10  }
0xb4: {  	s21 =	simm.s32 $0x0;
	s4 =	sshra.s32 s4, $0x2  }
0xb5: {  	s22 =	simm.s32 $0x0;
	s24 =	simm.s32 $0x0;
	s6 =	sadd.s32 s4, s30  }
.LBB1_15:
0xb6: {  	s24 =	sadd.s32 $0x1, s24  }
0xb7: {  	p3 =	sne.s32 s24, s27  }
.Ltmp10:
0xb8: {  	_ = 	snop;
	(pc) =	sbr.rel @!p3 .LBB1_16-.Ltmp10, $2  }
0xb9: {  	_ =	sdelay $0x2  }
0xba: {  	s22 =	sadd.s32 $0x80, s22;
	s21 =	sadd.s32 $0x1, s21  }
.LBB1_8:
.Ltmp11:
0xbb: {  	(pc) =	sbr.rel @p1 .LBB1_12-.Ltmp11, $2  }
0xbc: {  	_ =	sdelay $0x2  }
0xbd: {  	s17 =	sand.u32 $0x7F, s21;
	s23 =	sshll.u32 s24, $0x7  }
0xbe: {  	s4 =	sshll.u32 s17, $0x2;
	s11 =	sand.u32 $0x380, s23;
	s31 =	simm.s32 $0x780  }
0xbf: {  	s0 =	simm.s32 $0x480;
	s13 =	simm.s32 $0x700;
	s18 =	simm.s32 $0x500  }
0xc0: {  	p3 =	sgt.s32 s29, $0x100;
	s19 =	simm.s32 $0x580;
	s11 =	sadd.s32 s11, s6  }
0xc1: {  	s20 =	simm.s32 $0x600;
	s15 =	simm.s32 $0x680;
	s9 =	sadd.s32 $0x780, s22;
	v0 =	vmov s11  }
0xc2: {  	s12 =	sshrl.u32 s4, $0x2;
	s13 =	sand.u32 $0x3C00, s13;
	s18 =	sand.u32 $0x3C00, s18  }
0xc3: {  	s19 =	sand.u32 $0x3C00, s19;
	s20 =	sand.u32 $0x3C00, s20;
	s15 =	sand.u32 $0x3C00, s15  }
0xc4: {  	[dreg:$0x2] =	wrdreg s12;
	s13 =	sadd.s32 s23, s13;
	s12 =	sand.u32 $0x3C00, s0  }
0xc5: {  	s4 =	sand.u32 $0x3C00, s31;
	s13 =	sand.u32 $0x3C00, s13;
	s12 =	sadd.s32 s23, s12  }
0xc6: {  	s25 =	sadd.s32 $0xFFFFF880, s9;
	s18 =	sadd.s32 s23, s18;
	s12 =	sand.u32 $0x3C00, s12;
	v6 =	vld.idx.msk [tilespmem:v0+s13+$0x60 ss:$0x1], $0xffff  }
0xc7: {  	s11 =	simm.s32 $0x100;
	s19 =	sadd.s32 s23, s19;
	s10 =	sand.u32 $0x3C00, s18;
	v1 =	vld.idx.msk [tilespmem:v0+s12+$0x10 ss:$0x1], $0xffff  }
.Ltmp12:
0xc8: {  	s20 =	sadd.s32 s23, s20;
	s19 =	sand.u32 $0x3C00, s19;
	v3 =	vld.idx.msk [tilespmem:v0+s10+$0x20 ss:$0x1], $0xffff;
	(pc) =	sbr.rel @!p3 .LBB1_11-.Ltmp12, $4  }
0xc9: {  	s16 =	sadd.s32 s23, s15;
	s14 =	rddreg [dreg:$0x2];
	s20 =	sand.u32 $0x3C00, s20;
	v4 =	vld.idx.msk [tilespmem:v0+s19+$0x30 ss:$0x1], $0xffff  }
0xca: {  	s4 =	sadd.s32 s23, s4;
	s31 =	sand.u32 $0x3C00, s16;
	s18 =	sadd.s32 s14, s8;
	v5 =	vld.idx.msk [tilespmem:v0+s20+$0x40 ss:$0x1], $0xffff  }
0xcb: {  	s13 =	sadd.s32 $0xFFFFFC80, s9;
	s12 =	sand.u32 $0x3C00, s25;
	v2 =	vld.idx.msk [tilespmem:v0+s31+$0x50 ss:$0x1], $0xffff;
	s19 =	sand.u32 $0x3C00, s4  }
0xcc: {  	s4 =	smov.u32 s8;
	s20 =	sand.u32 $0x3C00, s13;
	s13 =	simm.s32 $0xF80;
	[tilespmem:s18+$0xFFFFF7F0 ss:$0x81] =	vst.msk $0xffff, v6;
	v6 =	vld.idx.msk [tilespmem:v0+s12+$0x0 ss:$0x1], $0xffff  }
.LBB1_10:
0xcd: {  	v7 =	vld.idx.msk [tilespmem:v0+s12+$0x10 ss:$0x1], $0xffff;
	[tilespmem:s18+$0xFFFFCFA0 ss:$0x81] =	vst.msk $0xffff, v1  }
0xce: {  	v8 =	vld.idx.msk [tilespmem:v0+s20+$0x0 ss:$0x1], $0xffff;
	[tilespmem:s18+$0xFFFFD7B0 ss:$0x81] =	vst.msk $0xffff, v3  }
0xcf: {  	s16 =	sadd.s32 $0xFFFFFF80, s13;
	v9 =	vld.idx.msk [tilespmem:v0+s19+$0x70 ss:$0x1], $0xffff;
	[tilespmem:s18+$0xFFFFDFC0 ss:$0x81] =	vst.msk $0xffff, v4  }
0xd0: {  	s15 =	sadd.s32 $0xFFFFFD00, s13;
	s11 =	sadd.s32 $0x100, s11;
	s16 =	sand.u32 $0x3C00, s16;
	v1 =	vld.idx.msk [tilespmem:v0+s12+$0x20 ss:$0x1], $0xffff;
	[tilespmem:s18+$0xFFFFE7D0 ss:$0x81] =	vst.msk $0xffff, v5  }
0xd1: {  	s9 =	sadd.s32 $0xFFFFFD80, s13;
	s14 =	sadd.s32 $0xFFFFFE00, s13;
	s16 =	sadd.s32 s23, s16;
	v3 =	vld.idx.msk [tilespmem:v0+s12+$0x30 ss:$0x1], $0xffff;
	[tilespmem:s18+$0xFFFFEFE0 ss:$0x81] =	vst.msk $0xffff, v2  }
0xd2: {  	s10 =	sadd.s32 $0xFFFFFE80, s13;
	s25 =	sadd.s32 $0xFFFFFF00, s13;
	s16 =	sand.u32 $0x3C00, s16;
	v4 =	vld.idx.msk [tilespmem:v0+s12+$0x40 ss:$0x1], $0xffff;
	[tilespmem:s18+$0xFFFF8710 ss:$0x81] =	vst.msk $0xffff, v6  }
0xd3: {  	s31 =	sand.u32 $0x3C00, s13;
	s0 =	rddreg [dreg:$0x2];
	s4 =	sadd.s32 $0x8100, s4;
	v5 =	vld.idx.msk [tilespmem:v0+s16+$0x60 ss:$0x1], $0xffff;
	[tilespmem:s18+$0xFFFF8F20 ss:$0x81] =	vst.msk $0xffff, v7  }
0xd4: {  	p3 =	slt.s32 s11, s29;
	s15 =	sand.u32 $0x3C00, s15;
	s9 =	sand.u32 $0x3C00, s9;
	v2 =	vld.idx.msk [tilespmem:v0+s12+$0x50 ss:$0x1], $0xffff;
	[tilespmem:s18+$0xFFFFC790 ss:$0x81] =	vst.msk $0xffff, v8  }
0xd5: {  	s14 =	sand.u32 $0x3C00, s14;
	s10 =	sand.u32 $0x3C00, s10;
	s15 =	sadd.s32 s23, s15;
	v6 =	vld.idx.msk [tilespmem:v0+s12+$0x60 ss:$0x1], $0xffff;
	[tilespmem:s18+$0x0 ss:$0x81] =	vst.msk $0xffff, v9  }
0xd6: {  	s25 =	sand.u32 $0x3C00, s25;
	s9 =	sadd.s32 s23, s9;
	s15 =	sand.u32 $0x3C00, s15;
	v7 =	vld.idx.msk [tilespmem:v0+s12+$0x70 ss:$0x1], $0xffff;
	[tilespmem:s18+$0xFFFF9730 ss:$0x81] =	vst.msk $0xffff, v1  }
0xd7: {  	s0 =	sadd.s32 s0, s4;
	s14 =	sadd.s32 s23, s14;
	s9 =	sand.u32 $0x3C00, s9;
	[tilespmem:s18+$0xFFFF9F40 ss:$0x81] =	vst.msk $0xffff, v3;
	v1 =	vld.idx.msk [tilespmem:v0+s15+$0x10 ss:$0x1], $0xffff  }
.Ltmp13:
0xd8: {  	s10 =	sadd.s32 s23, s10;
	s14 =	sand.u32 $0x3C00, s14;
	[tilespmem:s18+$0xFFFFA750 ss:$0x81] =	vst.msk $0xffff, v4;
	v3 =	vld.idx.msk [tilespmem:v0+s9+$0x20 ss:$0x1], $0xffff;
	(pc) =	sbr.rel @p3 .LBB1_10-.Ltmp13, $4  }
0xd9: {  	s25 =	sadd.s32 s23, s25;
	s10 =	sand.u32 $0x3C00, s10;
	s16 =	sadd.s32 s13, s22;
	[tilespmem:s0+$0xFFFFF7F0 ss:$0x81] =	vst.msk $0xffff, v5;
	v4 =	vld.idx.msk [tilespmem:v0+s14+$0x30 ss:$0x1], $0xffff  }
0xda: {  	s31 =	sadd.s32 s23, s31;
	s25 =	sand.u32 $0x3C00, s25;
	s12 =	sadd.s32 $0xFFFFF880, s16;
	[tilespmem:s18+$0xFFFFAF60 ss:$0x81] =	vst.msk $0xffff, v2;
	v5 =	vld.idx.msk [tilespmem:v0+s10+$0x40 ss:$0x1], $0xffff  }
0xdb: {  	s19 =	sand.u32 $0x3C00, s31;
	s16 =	sadd.s32 $0xFFFFFC80, s16;
	s12 =	sand.u32 $0x3C00, s12;
	[tilespmem:s18+$0xFFFFB770 ss:$0x81] =	vst.msk $0xffff, v6;
	v2 =	vld.idx.msk [tilespmem:v0+s25+$0x50 ss:$0x1], $0xffff  }
0xdc: {  	s13 =	sadd.s32 $0x800, s13;
	s20 =	sand.u32 $0x3C00, s16;
	v6 =	vld.idx.msk [tilespmem:v0+s12+$0x0 ss:$0x1], $0xffff;
	[tilespmem:s18+$0xFFFFBF80 ss:$0x81] =	vst.msk $0xffff, v7;
	s18 =	smov.u32 s0  }
.LBB1_11:
0xdd: {  	_ =	sdelay $0x2  }
0xde: {  	[tilespmem:s18+$0xFFFFCFA0 ss:$0x81] =	vst.msk $0xffff, v1  }
0xdf: {  	v55 =	vld.idx.msk [tilespmem:v0+s12+$0x10 ss:$0x1], $0xffff;
	[tilespmem:s18+$0xFFFFD7B0 ss:$0x81] =	vst.msk $0xffff, v3  }
0xe0: {  	v56 =	vld.idx.msk [tilespmem:v0+s12+$0x20 ss:$0x1], $0xffff;
	[tilespmem:s18+$0xFFFFDFC0 ss:$0x81] =	vst.msk $0xffff, v4  }
0xe1: {  	v57 =	vld.idx.msk [tilespmem:v0+s12+$0x30 ss:$0x1], $0xffff;
	[tilespmem:s18+$0xFFFFE7D0 ss:$0x81] =	vst.msk $0xffff, v5  }
0xe2: {  	v58 =	vld.idx.msk [tilespmem:v0+s12+$0x40 ss:$0x1], $0xffff;
	[tilespmem:s18+$0xFFFFEFE0 ss:$0x81] =	vst.msk $0xffff, v2  }
0xe3: {  	v59 =	vld.idx.msk [tilespmem:v0+s12+$0x50 ss:$0x1], $0xffff;
	[tilespmem:s18+$0xFFFF8710 ss:$0x81] =	vst.msk $0xffff, v6  }
0xe4: {  	v60 =	vld.idx.msk [tilespmem:v0+s12+$0x60 ss:$0x1], $0xffff;
	[tilespmem:s18+$0xFFFF8F20 ss:$0x81] =	vst.msk $0xffff, v55  }
0xe5: {  	v61 =	vld.idx.msk [tilespmem:v0+s12+$0x70 ss:$0x1], $0xffff;
	[tilespmem:s18+$0xFFFF9730 ss:$0x81] =	vst.msk $0xffff, v56  }
0xe6: {  	v62 =	vld.idx.msk [tilespmem:v0+s20+$0x0 ss:$0x1], $0xffff;
	[tilespmem:s18+$0xFFFF9F40 ss:$0x81] =	vst.msk $0xffff, v57  }
0xe7: {  	v63 =	vld.idx.msk [tilespmem:v0+s19+$0x70 ss:$0x1], $0xffff;
	[tilespmem:s18+$0xFFFFA750 ss:$0x81] =	vst.msk $0xffff, v58  }
0xe8: {  	[tilespmem:s18+$0xFFFFAF60 ss:$0x81] =	vst.msk $0xffff, v59  }
0xe9: {  	[tilespmem:s18+$0xFFFFB770 ss:$0x81] =	vst.msk $0xffff, v60  }
0xea: {  	[tilespmem:s18+$0xFFFFBF80 ss:$0x81] =	vst.msk $0xffff, v61  }
0xeb: {  	[tilespmem:s18+$0xFFFFC790 ss:$0x81] =	vst.msk $0xffff, v62  }
0xec: {  	[tilespmem:s18+$0x0 ss:$0x81] =	vst.msk $0xffff, v63  }
.LBB1_12:
.Ltmp14:
0xed: {  	(pc) =	sbr.rel @p2 .LBB1_15-.Ltmp14, $1  }
0xee: {  	_ =	sdelay $0x3  }
0xef: {  	s11 =	sand.u32 $0x380, s23;
	s4 =	sadd.s32 s17, s3  }
0xf0: {  	s12 =	smov.u32 s1;
	s13 =	smov.u32 s29;
	s11 =	sadd.s32 s11, s6  }
.LBB1_14:
0xf1: {  	s0 =	sand.u32 $0x3C00, s12  }
0xf2: {  	s0 =	sadd.s32 s23, s0  }
0xf3: {  	s0 =	sand.u32 $0x3C00, s0  }
0xf4: {  	s9 =	sand.u32 $0x70, s13;
	s0 =	sadd.s32 s0, s11  }
0xf5: {  	s13 =	sadd.s32 $0x10, s13;
	s0 =	sadd.s32 s9, s0  }
0xf6: {  	p3 =	slt.s32 s13, s28;
	v0 =	vld [tilespmem:s0+$0x0]  }
.Ltmp15:
0xf7: {  	_ = 	snop;
	(pc) =	sbr.rel @p3 .LBB1_14-.Ltmp15, $2  }
0xf8: {  	_ =	sdelay $0x2  }
0xf9: {  	s12 =	sadd.s32 $0x80, s12;
	[tilespmem:s4+$0x0 ss:$0x81] =	vst.msk $0xffff, v0;
	s4 =	sadd.s32 $0x810, s4  }
.Ltmp16:
0xfa: {  	_ = 	snop;
	(pc) =	sbr.rel .LBB1_15-.Ltmp16, $1  }
0xfb: {  	_ =	sdelay $0x3  }
.LBB1_20:
0xfc: {  	_ =	sfence.sel $0x180000  }
0xfd: {  	s0 =	simm.s32 $0x1;
	[bflag:$0x0] =	sbarrier.arrive $0xFFFF  }
0xfe: {  	s30 =	simm.s32 $0x2;
	[sflag:s0] =	ssyncpa.u1 $0x1  }
0xff: {  	[sflag:s30] =	ssyncpa.u1 $0x1  }
0x100: {  	_ =	strace $0x9000004A  }
0x101: {  	s31 =	stileid.u32;
	[bflag:$0x2] =	sbarrier.arrive $0xFFFF  }
0x102: {  	p0 =	sne.s32 s31, $0x0;
	s0 =	rddreg [dreg:$0x1]  }
0x103: {  	s0 =	sadd.s32 @!p0 $0x100000, s0  }
0x104: {  	[sflag:s0] =	ssyncadd.tile.s32 @!p0 $0x1;
	_ =	shalt  }
.Lfunc_end1:
_tile_overlayer_lowered:
.L_overlay_start_2:
0x105: {  	(tag) =	ssettag $0x2  }
0x106: {  	s0 =	rddreg [dreg:$0x0];
	s2 =	stileid.u32  }
0x107: {  	s1 =	rddreg [dreg:$0x1];
	p0 =	sne.s32 s2, $0x0  }
0x108: {  	s3 =	rddreg [dreg:$0x2];
	[bflag:$0x3] =	sbarrier.arrive $0xFFFF;
	s2 =	simm.s32 @!p0 $0x1C01  }
0x109: {  	[timem:s3], [sflag:s2] =	dma.local @!p0 [hbm:s0], s1  }
0x10a: {  	s0 =	simm.s32 @!p0 $0x1  }
0x10b: {  	_ =	swait.ge @!p0 [sflag:s0], s1  }
0x10c: {  	s1 =	ssub.s32 @!p0 $0x0, s1;
	[sflag:s0] =	ssyncset.done @!p0 $0x0  }
0x10d: {  	[sflag:s0] =	ssyncadd.s32 @!p0 s1  }
0x10e: {  	[bflag:$0x3] =	sbarrier.arrive $0xFFFF  }
0x10f: {  	_ =	shalt  }

</sc_bundles>
